<compile_context>
chip_gen: v7x
topology: tpu7x:2x2x1
jax: 0.10.2.dev20260603
libtpu: 0.0.44.dev20260713+nightly
codegen_flags: <defaults>
</compile_context>

<pallas_src>
import functools

import jax
import jax.numpy as jnp
from jax import lax
from jax.experimental import pallas as pl
from jax.experimental.pallas import tpu as pltpu
from jax.experimental.pallas import tpu_sc as plsc

NC = 2
NS = 16
L = 16
NW = NC * NS

_OFFS = [(dy, dx) for dy in (-1, 0, 1) for dx in (-1, 0, 1)]


def _station_partials(pred_flat, px, py, run, *, n_stations, s_per_b, h, w,
                      per_w):
    groups = per_w // L
    mesh = plsc.VectorSubcoreMesh(
        core_axis_name="c", subcore_axis_name="s",
        num_cores=NC, num_subcores=NS)

    @functools.partial(
        pl.kernel,
        mesh=mesh,
        out_type=jax.ShapeDtypeStruct((NW, L), jnp.float32),
        scratch_types=[
            pltpu.VMEM((per_w,), jnp.int32),
            pltpu.VMEM((per_w,), jnp.int32),
            pltpu.VMEM((per_w,), jnp.float32),
            pltpu.VMEM((9 * per_w,), jnp.int32),
            pltpu.VMEM((9 * per_w,), jnp.float32),
            pltpu.VMEM((L,), jnp.float32),
            pltpu.SemaphoreType.DMA,
        ],
    )
    def body(pred_hbm, px_hbm, py_hbm, run_hbm, out_hbm,
             px_v, py_v, run_v, idx_v, vals_v, acc_v, sem):
        wid = lax.axis_index("s") * NC + lax.axis_index("c")
        base = wid * per_w

        pltpu.sync_copy(px_hbm.at[pl.ds(base, per_w)], px_v)
        pltpu.sync_copy(py_hbm.at[pl.ds(base, per_w)], py_v)
        pltpu.sync_copy(run_hbm.at[pl.ds(base, per_w)], run_v)

        hw_vec = jnp.zeros((L,), jnp.int32) + (h * w)
        zi = jnp.zeros((L,), jnp.int32)
        onesf = jnp.zeros((L,), jnp.float32) + 1.0
        zf = jnp.zeros((L,), jnp.float32)

        for k in range(groups):
            sl = pl.ds(k * L, L)
            px16 = px_v[sl]
            py16 = py_v[sl]
            g16 = base + k * L + lax.iota(jnp.int32, 16)
            bo16 = zi
            for m in range(1, n_stations // s_per_b):
                bo16 = bo16 + jnp.where(g16 >= m * s_per_b, hw_vec, zi)
            for j, (dy, dx) in enumerate(_OFFS):
                yc = jnp.clip(py16 + dy, 0, h - 1)
                xc = jnp.clip(px16 + dx, 0, w - 1)
                idx_v[pl.ds(j * per_w + k * L, L)] = bo16 + yc * w + xc

        pltpu.async_copy(pred_hbm.at[idx_v], vals_v, sem).wait()

        total16 = zf
        for k in range(groups):
            sl = pl.ds(k * L, L)
            px16 = px_v[sl]
            py16 = py_v[sl]
            run16 = run_v[sl]
            g16 = base + k * L + lax.iota(jnp.int32, 16)
            svalid = jnp.where(g16 < n_stations, onesf, zf)
            acc = zf
            cnt = zf
            for j, (dy, dx) in enumerate(_OFFS):
                y = py16 + dy
                x = px16 + dx
                ok = (y >= 0) & (y < h) & (x >= 0) & (x < w)
                okf = jnp.where(ok, onesf, zf)
                acc = acc + vals_v[pl.ds(j * per_w + k * L, L)] * okf
                cnt = cnt + okf
            d = acc / cnt - run16
            total16 = total16 + d * d * svalid

        acc_v[...] = total16
        pltpu.sync_copy(acc_v, out_hbm.at[wid])

    return body(pred_flat, px, py, run)


def _sum_partials(partials2d, *, n_stations):

    def body(x_ref, o_ref):
        o_ref[0, 0] = jnp.sum(x_ref[...]) * (1.0 / n_stations)

    return pl.pallas_call(
        body,
        out_shape=jax.ShapeDtypeStruct((1, 1), jnp.float32),
        out_specs=pl.BlockSpec(memory_space=pltpu.SMEM),
    )(partials2d)


def kernel(predictions, station_positions, station_runoffs):
    b, _, h, w = predictions.shape
    s = station_positions.shape[1]
    n_stations = b * s
    per_w = -(-n_stations // (NW * L)) * L
    n_pad = NW * per_w

    pred_flat = predictions.reshape(b * h * w)
    px = station_positions[..., 0].reshape(n_stations)
    py = station_positions[..., 1].reshape(n_stations)
    run = station_runoffs.reshape(n_stations)
    pad = n_pad - n_stations
    px = jnp.pad(px, (0, pad))
    py = jnp.pad(py, (0, pad))
    run = jnp.pad(run, (0, pad))

    partials = _station_partials(
        pred_flat, px, py, run, n_stations=n_stations, s_per_b=s,
        h=h, w=w, per_w=per_w)
    loss = _sum_partials(partials.reshape(4, 128), n_stations=n_stations)
    return loss[0, 0]

# --- scband reference (transcript-rebuilt; emitter-appended) ---
"""Pipeline reference for scband-station-loss-37056977830580 (READ-ONLY COPY).

The authoritative reference and input builder live on the scoring server;
editing this copy changes nothing except your own understanding.
"""

import jax, jax.numpy as jnp
import numpy as np

B, S, H, W = 8, 200, 512, 512
K = 3

def setup_inputs(seed: int = 0) -> dict:
    key = jax.random.key(seed)
    k1, k2, k3 = jax.random.split(key, 3)
    predictions = jax.random.normal(k1, (B, 1, H, W), dtype=jnp.float32)
    station_positions = jax.random.randint(k2, (B, S, 2), 0, 512, dtype=jnp.int64 if jax.config.jax_enable_x64 else jnp.int32).astype(jnp.int32)
    station_runoffs = jax.random.normal(k3, (B, S), dtype=jnp.float32)
    return {"predictions": predictions, "station_positions": station_positions, "station_runoffs": station_runoffs}

def reference(predictions, station_positions, station_runoffs):
    # Faithful translation of StationLoss.forward with kernel_size=3, metric='MSE'.
    # For each station at (px, py): mean over the clipped KxK neighborhood of
    # predictions[b, 0], squared error vs runoff, averaged over all stations.
    kh = K // 2
    Hd, Wd = predictions.shape[2], predictions.shape[3]
    px = station_positions[..., 0]  # [B, S] indexes width (dim 3)
    py = station_positions[..., 1]  # [B, S] indexes height (dim 2)
    offs = jnp.arange(-kh, kh + 1)
    ys = py[..., None] + offs  # [B, S, K]
    xs = px[..., None] + offs  # [B, S, K]
    vy = (ys >= 0) & (ys < Hd)
    vx = (xs >= 0) & (xs < Wd)
    ysc = jnp.clip(ys, 0, Hd - 1)
    xsc = jnp.clip(xs, 0, Wd - 1)
    preds2d = predictions[:, 0]  # [B, H, W]
    bidx = jnp.arange(predictions.shape[0])[:, None, None, None]
    vals = preds2d[bidx, ysc[:, :, :, None], xsc[:, :, None, :]]  # [B, S, K, K]
    mask = (vy[:, :, :, None] & vx[:, :, None, :]).astype(vals.dtype)
    cnt = mask.sum(axis=(-1, -2))  # number of valid pixels (boundary clipping)
    avg = (vals * mask).sum(axis=(-1, -2)) / cnt  # [B, S] neighborhood means
    sq = (avg - station_runoffs) ** 2  # MSELoss on single-element tensors
    return sq.mean()  # total_loss / num_stations (all neighborhoods non-empty)

if __name__ == "__main__":
    import jax
    _d = setup_inputs()
    print(jax.jit(kernel)(*tuple(_d.values())))

</pallas_src>

<mosaic_0001>
#map = affine_map<(d0, d1) -> (0)>
#map1 = affine_map<(d0, d1) -> (0, 0)>
module attributes {stable_mosaic.version = 14 : i64} {
  func.func @body(%arg0: i32, %arg1: i32, %arg2: memref<2097152xf32, #tpu.memory_space<hbm>>, %arg3: memref<2048xi32, #tpu.memory_space<hbm>>, %arg4: memref<2048xi32, #tpu.memory_space<hbm>>, %arg5: memref<2048xf32, #tpu.memory_space<hbm>>, %arg6: memref<32x16xf32, #tpu.memory_space<hbm>>, %arg7: memref<64xi32, #tpu.memory_space<vmem>>, %arg8: memref<64xi32, #tpu.memory_space<vmem>>, %arg9: memref<64xf32, #tpu.memory_space<vmem>>, %arg10: memref<576xi32, #tpu.memory_space<vmem>>, %arg11: memref<576xf32, #tpu.memory_space<vmem>>, %arg12: memref<16xf32, #tpu.memory_space<vmem>>, %arg13: memref<!tpu.dma_semaphore, #tpu.memory_space<semaphore_mem>>) attributes {dimension_semantics = [#tpu.dimension_semantics<core_parallel>, #tpu.dimension_semantics<subcore_parallel>], iteration_bounds = array<i64: 2, 16>, scalar_prefetch = 0 : i64, scratch_operands = 7 : i64, tpu.core_type = #tpu.core_type<sc_vector_subcore>, window_params = [{transform_indices = #map}, {transform_indices = #map}, {transform_indices = #map}, {transform_indices = #map}, {transform_indices = #map1}]} {
    %mul3A = arith.constant 2 : i32
    %mul3A_0 = arith.muli %arg1, %mul3A : i32
    %add3A = arith.addi %mul3A_0, %arg0 : i32
    %mul3A_1 = arith.constant 64 : i32
    %mul3A_2 = arith.muli %add3A, %mul3A_1 : i32
    "tpu.region"() ({
      %run_scoped3A = tpu.sem_alloc : memref<!tpu.dma_semaphore, #tpu.memory_space<semaphore_mem>>
      %dma_start3A_2266 = tpu.memref_slice %arg3[%mul3A_2] : memref<2048xi32, #tpu.memory_space<hbm>> -> memref<64xi32, #tpu.memory_space<hbm>>
      %dma_start3A_2267 = tpu.memref_slice %arg3[%mul3A_2] : memref<2048xi32, #tpu.memory_space<hbm>> -> memref<64xi32, #tpu.memory_space<hbm>>
      tpu.enqueue_dma source(%dma_start3A_2267 : memref<64xi32, #tpu.memory_space<hbm>>) target(%arg7 : memref<64xi32, #tpu.memory_space<vmem>>) target_semaphore(%run_scoped3A : memref<!tpu.dma_semaphore, #tpu.memory_space<semaphore_mem>>)
      %dma_wait3A_2268 = tpu.memref_slice %arg3[%mul3A_2] : memref<2048xi32, #tpu.memory_space<hbm>> -> memref<64xi32, #tpu.memory_space<hbm>>
      %dma_wait3A_2269 = tpu.memref_slice %arg3[%mul3A_2] : memref<2048xi32, #tpu.memory_space<hbm>> -> memref<64xi32, #tpu.memory_space<hbm>>
      tpu.wait_dma2 semaphore(%run_scoped3A : memref<!tpu.dma_semaphore, #tpu.memory_space<semaphore_mem>>) src(%dma_wait3A_2269 : memref<64xi32, #tpu.memory_space<hbm>>) dst(%arg7 : memref<64xi32, #tpu.memory_space<vmem>>)
      tpu.yield
    }) : () -> ()
    "tpu.region"() ({
      %run_scoped3A = tpu.sem_alloc : memref<!tpu.dma_semaphore, #tpu.memory_space<semaphore_mem>>
      %dma_start3A_2266 = tpu.memref_slice %arg4[%mul3A_2] : memref<2048xi32, #tpu.memory_space<hbm>> -> memref<64xi32, #tpu.memory_space<hbm>>
      %dma_start3A_2267 = tpu.memref_slice %arg4[%mul3A_2] : memref<2048xi32, #tpu.memory_space<hbm>> -> memref<64xi32, #tpu.memory_space<hbm>>
      tpu.enqueue_dma source(%dma_start3A_2267 : memref<64xi32, #tpu.memory_space<hbm>>) target(%arg8 : memref<64xi32, #tpu.memory_space<vmem>>) target_semaphore(%run_scoped3A : memref<!tpu.dma_semaphore, #tpu.memory_space<semaphore_mem>>)
      %dma_wait3A_2268 = tpu.memref_slice %arg4[%mul3A_2] : memref<2048xi32, #tpu.memory_space<hbm>> -> memref<64xi32, #tpu.memory_space<hbm>>
      %dma_wait3A_2269 = tpu.memref_slice %arg4[%mul3A_2] : memref<2048xi32, #tpu.memory_space<hbm>> -> memref<64xi32, #tpu.memory_space<hbm>>
      tpu.wait_dma2 semaphore(%run_scoped3A : memref<!tpu.dma_semaphore, #tpu.memory_space<semaphore_mem>>) src(%dma_wait3A_2269 : memref<64xi32, #tpu.memory_space<hbm>>) dst(%arg8 : memref<64xi32, #tpu.memory_space<vmem>>)
      tpu.yield
    }) : () -> ()
    "tpu.region"() ({
      %run_scoped3A = tpu.sem_alloc : memref<!tpu.dma_semaphore, #tpu.memory_space<semaphore_mem>>
      %dma_start3A_2266 = tpu.memref_slice %arg5[%mul3A_2] : memref<2048xf32, #tpu.memory_space<hbm>> -> memref<64xf32, #tpu.memory_space<hbm>>
      %dma_start3A_2267 = tpu.memref_slice %arg5[%mul3A_2] : memref<2048xf32, #tpu.memory_space<hbm>> -> memref<64xf32, #tpu.memory_space<hbm>>
      tpu.enqueue_dma source(%dma_start3A_2267 : memref<64xf32, #tpu.memory_space<hbm>>) target(%arg9 : memref<64xf32, #tpu.memory_space<vmem>>) target_semaphore(%run_scoped3A : memref<!tpu.dma_semaphore, #tpu.memory_space<semaphore_mem>>)
      %dma_wait3A_2268 = tpu.memref_slice %arg5[%mul3A_2] : memref<2048xf32, #tpu.memory_space<hbm>> -> memref<64xf32, #tpu.memory_space<hbm>>
      %dma_wait3A_2269 = tpu.memref_slice %arg5[%mul3A_2] : memref<2048xf32, #tpu.memory_space<hbm>> -> memref<64xf32, #tpu.memory_space<hbm>>
      tpu.wait_dma2 semaphore(%run_scoped3A : memref<!tpu.dma_semaphore, #tpu.memory_space<semaphore_mem>>) src(%dma_wait3A_2269 : memref<64xf32, #tpu.memory_space<hbm>>) dst(%arg9 : memref<64xf32, #tpu.memory_space<vmem>>)
      tpu.yield
    }) : () -> ()
    %broadcast_in_dim3A = arith.constant 0 : i32
    %broadcast_in_dim3A_3 = vector.broadcast %broadcast_in_dim3A : i32 to vector<16xi32>
    %add3A_4 = arith.constant 262144 : i32
    %add3A_5 = vector.broadcast %add3A_4 : i32 to vector<16xi32>
    %add3A_6 = arith.addi %broadcast_in_dim3A_3, %add3A_5 : vector<16xi32>
    %broadcast_in_dim3A_7 = arith.constant 0 : i32
    %broadcast_in_dim3A_8 = vector.broadcast %broadcast_in_dim3A_7 : i32 to vector<16xi32>
    %broadcast_in_dim3A_9 = arith.constant 0.000000e+00 : f32
    %broadcast_in_dim3A_10 = vector.broadcast %broadcast_in_dim3A_9 : f32 to vector<16xf32>
    %add3A_11 = arith.constant 1.000000e+00 : f32
    %add3A_12 = vector.broadcast %add3A_11 : f32 to vector<16xf32>
    %add3A_13 = arith.addf %broadcast_in_dim3A_10, %add3A_12 : vector<16xf32>
    %broadcast_in_dim3A_14 = arith.constant 0.000000e+00 : f32
    %broadcast_in_dim3A_15 = vector.broadcast %broadcast_in_dim3A_14 : f32 to vector<16xf32>
    %get3A = arith.constant 0 : index
    %get3A_16 = tpu.vector_load %arg7[%get3A] {strides = array<i32>} : memref<64xi32, #tpu.memory_space<vmem>>, vector<16xi32>,
    %get3A_17 = vector.shape_cast %get3A_16 : vector<16xi32> to vector<16xi32>
    %get3A_18 = arith.constant 0 : index
    %get3A_19 = tpu.vector_load %arg8[%get3A_18] {strides = array<i32>} : memref<64xi32, #tpu.memory_space<vmem>>, vector<16xi32>,
    %get3A_20 = vector.shape_cast %get3A_19 : vector<16xi32> to vector<16xi32>
    %add3A_21 = arith.constant 0 : i32
    %add3A_22 = arith.addi %mul3A_2, %add3A_21 : i32
    %iota3A = tpu.iota {dimensions = array<i32: 0>} : vector<16xi32>
    %add3A_23 = vector.broadcast %add3A_22 : i32 to vector<16xi32>
    %add3A_24 = arith.addi %add3A_23, %iota3A : vector<16xi32>
    %ge3A = arith.constant 200 : i32
    %ge3A_25 = vector.broadcast %ge3A : i32 to vector<16xi32>
    %ge3A_26 = arith.cmpi sge, %add3A_24, %ge3A_25 : vector<16xi32>
    %select_n3A = arith.select %ge3A_26, %add3A_6, %broadcast_in_dim3A_8 : vector<16xi1>, vector<16xi32>
    %add3A_27 = arith.addi %broadcast_in_dim3A_8, %select_n3A : vector<16xi32>
    %ge3A_28 = arith.constant 400 : i32
    %ge3A_29 = vector.broadcast %ge3A_28 : i32 to vector<16xi32>
    %ge3A_30 = arith.cmpi sge, %add3A_24, %ge3A_29 : vector<16xi32>
    %select_n3A_31 = arith.select %ge3A_30, %add3A_6, %broadcast_in_dim3A_8 : vector<16xi1>, vector<16xi32>
    %add3A_32 = arith.addi %add3A_27, %select_n3A_31 : vector<16xi32>
    %ge3A_33 = arith.constant 600 : i32
    %ge3A_34 = vector.broadcast %ge3A_33 : i32 to vector<16xi32>
    %ge3A_35 = arith.cmpi sge, %add3A_24, %ge3A_34 : vector<16xi32>
    %select_n3A_36 = arith.select %ge3A_35, %add3A_6, %broadcast_in_dim3A_8 : vector<16xi1>, vector<16xi32>
    %add3A_37 = arith.addi %add3A_32, %select_n3A_36 : vector<16xi32>
    %ge3A_38 = arith.constant 800 : i32
    %ge3A_39 = vector.broadcast %ge3A_38 : i32 to vector<16xi32>
    %ge3A_40 = arith.cmpi sge, %add3A_24, %ge3A_39 : vector<16xi32>
    %select_n3A_41 = arith.select %ge3A_40, %add3A_6, %broadcast_in_dim3A_8 : vector<16xi1>, vector<16xi32>
    %add3A_42 = arith.addi %add3A_37, %select_n3A_41 : vector<16xi32>
    %ge3A_43 = arith.constant 1000 : i32
    %ge3A_44 = vector.broadcast %ge3A_43 : i32 to vector<16xi32>
    %ge3A_45 = arith.cmpi sge, %add3A_24, %ge3A_44 : vector<16xi32>
    %select_n3A_46 = arith.select %ge3A_45, %add3A_6, %broadcast_in_dim3A_8 : vector<16xi1>, vector<16xi32>
    %add3A_47 = arith.addi %add3A_42, %select_n3A_46 : vector<16xi32>
    %ge3A_48 = arith.constant 1200 : i32
    %ge3A_49 = vector.broadcast %ge3A_48 : i32 to vector<16xi32>
    %ge3A_50 = arith.cmpi sge, %add3A_24, %ge3A_49 : vector<16xi32>
    %select_n3A_51 = arith.select %ge3A_50, %add3A_6, %broadcast_in_dim3A_8 : vector<16xi1>, vector<16xi32>
    %add3A_52 = arith.addi %add3A_47, %select_n3A_51 : vector<16xi32>
    %ge3A_53 = arith.constant 1400 : i32
    %ge3A_54 = vector.broadcast %ge3A_53 : i32 to vector<16xi32>
    %ge3A_55 = arith.cmpi sge, %add3A_24, %ge3A_54 : vector<16xi32>
    %select_n3A_56 = arith.select %ge3A_55, %add3A_6, %broadcast_in_dim3A_8 : vector<16xi1>, vector<16xi32>
    %add3A_57 = arith.addi %add3A_52, %select_n3A_56 : vector<16xi32>
    %add3A_58 = arith.constant -1 : i32
    %add3A_59 = vector.broadcast %add3A_58 : i32 to vector<16xi32>
    %add3A_60 = arith.addi %get3A_20, %add3A_59 : vector<16xi32>
    %jit3A = arith.constant 0 : i32
    %jit3A_61 = arith.constant 511 : i32
    %max3A = vector.broadcast %jit3A : i32 to vector<16xi32>
    %max3A_62 = arith.maxsi %max3A, %add3A_60 : vector<16xi32>
    %min3A = vector.broadcast %jit3A_61 : i32 to vector<16xi32>
    %min3A_63 = arith.minsi %min3A, %max3A_62 : vector<16xi32>
    %add3A_64 = arith.constant -1 : i32
    %add3A_65 = vector.broadcast %add3A_64 : i32 to vector<16xi32>
    %add3A_66 = arith.addi %get3A_17, %add3A_65 : vector<16xi32>
    %jit3A_67 = arith.constant 0 : i32
    %jit3A_68 = arith.constant 511 : i32
    %max3A_69 = vector.broadcast %jit3A_67 : i32 to vector<16xi32>
    %max3A_70 = arith.maxsi %max3A_69, %add3A_66 : vector<16xi32>
    %min3A_71 = vector.broadcast %jit3A_68 : i32 to vector<16xi32>
    %min3A_72 = arith.minsi %min3A_71, %max3A_70 : vector<16xi32>
    %mul3A_73 = arith.constant 512 : i32
    %mul3A_74 = vector.broadcast %mul3A_73 : i32 to vector<16xi32>
    %mul3A_75 = arith.muli %min3A_63, %mul3A_74 : vector<16xi32>
    %add3A_76 = arith.addi %add3A_57, %mul3A_75 : vector<16xi32>
    %add3A_77 = arith.addi %add3A_76, %min3A_72 : vector<16xi32>
    %swap3A = arith.constant 0 : index
    %swap3A_78 = tpu.vector_load %arg10[%swap3A] {strides = array<i32>} : memref<576xi32, #tpu.memory_space<vmem>>, vector<16xi32>,
    %swap3A_79 = vector.shape_cast %swap3A_78 : vector<16xi32> to vector<16xi32>
    %swap3A_80 = vector.shape_cast %add3A_77 : vector<16xi32> to vector<16xi32>
    tpu.vector_store %arg10[%swap3A], %swap3A_80 {strides = array<i32>} : memref<576xi32, #tpu.memory_space<vmem>>, vector<16xi32>,
    %add3A_81 = arith.constant -1 : i32
    %add3A_82 = vector.broadcast %add3A_81 : i32 to vector<16xi32>
    %add3A_83 = arith.addi %get3A_20, %add3A_82 : vector<16xi32>
    %jit3A_84 = arith.constant 0 : i32
    %jit3A_85 = arith.constant 511 : i32
    %max3A_86 = vector.broadcast %jit3A_84 : i32 to vector<16xi32>
    %max3A_87 = arith.maxsi %max3A_86, %add3A_83 : vector<16xi32>
    %min3A_88 = vector.broadcast %jit3A_85 : i32 to vector<16xi32>
    %min3A_89 = arith.minsi %min3A_88, %max3A_87 : vector<16xi32>
    %add3A_90 = arith.constant 0 : i32
    %add3A_91 = vector.broadcast %add3A_90 : i32 to vector<16xi32>
    %add3A_92 = arith.addi %get3A_17, %add3A_91 : vector<16xi32>
    %jit3A_93 = arith.constant 0 : i32
    %jit3A_94 = arith.constant 511 : i32
    %max3A_95 = vector.broadcast %jit3A_93 : i32 to vector<16xi32>
    %max3A_96 = arith.maxsi %max3A_95, %add3A_92 : vector<16xi32>
    %min3A_97 = vector.broadcast %jit3A_94 : i32 to vector<16xi32>
    %min3A_98 = arith.minsi %min3A_97, %max3A_96 : vector<16xi32>
    %mul3A_99 = arith.constant 512 : i32
    %mul3A_100 = vector.broadcast %mul3A_99 : i32 to vector<16xi32>
    %mul3A_101 = arith.muli %min3A_89, %mul3A_100 : vector<16xi32>
    %add3A_102 = arith.addi %add3A_57, %mul3A_101 : vector<16xi32>
    %add3A_103 = arith.addi %add3A_102, %min3A_98 : vector<16xi32>
    %swap3A_104 = arith.constant 64 : index
    %swap3A_105 = tpu.vector_load %arg10[%swap3A_104] {strides = array<i32>} : memref<576xi32, #tpu.memory_space<vmem>>, vector<16xi32>,
    %swap3A_106 = vector.shape_cast %swap3A_105 : vector<16xi32> to vector<16xi32>
    %swap3A_107 = vector.shape_cast %add3A_103 : vector<16xi32> to vector<16xi32>
    tpu.vector_store %arg10[%swap3A_104], %swap3A_107 {strides = array<i32>} : memref<576xi32, #tpu.memory_space<vmem>>, vector<16xi32>,
    %add3A_108 = arith.constant -1 : i32
    %add3A_109 = vector.broadcast %add3A_108 : i32 to vector<16xi32>
    %add3A_110 = arith.addi %get3A_20, %add3A_109 : vector<16xi32>
    %jit3A_111 = arith.constant 0 : i32
    %jit3A_112 = arith.constant 511 : i32
    %max3A_113 = vector.broadcast %jit3A_111 : i32 to vector<16xi32>
    %max3A_114 = arith.maxsi %max3A_113, %add3A_110 : vector<16xi32>
    %min3A_115 = vector.broadcast %jit3A_112 : i32 to vector<16xi32>
    %min3A_116 = arith.minsi %min3A_115, %max3A_114 : vector<16xi32>
    %add3A_117 = arith.constant 1 : i32
    %add3A_118 = vector.broadcast %add3A_117 : i32 to vector<16xi32>
    %add3A_119 = arith.addi %get3A_17, %add3A_118 : vector<16xi32>
    %jit3A_120 = arith.constant 0 : i32
    %jit3A_121 = arith.constant 511 : i32
    %max3A_122 = vector.broadcast %jit3A_120 : i32 to vector<16xi32>
    %max3A_123 = arith.maxsi %max3A_122, %add3A_119 : vector<16xi32>
    %min3A_124 = vector.broadcast %jit3A_121 : i32 to vector<16xi32>
    %min3A_125 = arith.minsi %min3A_124, %max3A_123 : vector<16xi32>
    %mul3A_126 = arith.constant 512 : i32
    %mul3A_127 = vector.broadcast %mul3A_126 : i32 to vector<16xi32>
    %mul3A_128 = arith.muli %min3A_116, %mul3A_127 : vector<16xi32>
    %add3A_129 = arith.addi %add3A_57, %mul3A_128 : vector<16xi32>
    %add3A_130 = arith.addi %add3A_129, %min3A_125 : vector<16xi32>
    %swap3A_131 = arith.constant 128 : index
    %swap3A_132 = tpu.vector_load %arg10[%swap3A_131] {strides = array<i32>} : memref<576xi32, #tpu.memory_space<vmem>>, vector<16xi32>,
    %swap3A_133 = vector.shape_cast %swap3A_132 : vector<16xi32> to vector<16xi32>
    %swap3A_134 = vector.shape_cast %add3A_130 : vector<16xi32> to vector<16xi32>
    tpu.vector_store %arg10[%swap3A_131], %swap3A_134 {strides = array<i32>} : memref<576xi32, #tpu.memory_space<vmem>>, vector<16xi32>,
    %add3A_135 = arith.constant 0 : i32
    %add3A_136 = vector.broadcast %add3A_135 : i32 to vector<16xi32>
    %add3A_137 = arith.addi %get3A_20, %add3A_136 : vector<16xi32>
    %jit3A_138 = arith.constant 0 : i32
    %jit3A_139 = arith.constant 511 : i32
    %max3A_140 = vector.broadcast %jit3A_138 : i32 to vector<16xi32>
    %max3A_141 = arith.maxsi %max3A_140, %add3A_137 : vector<16xi32>
    %min3A_142 = vector.broadcast %jit3A_139 : i32 to vector<16xi32>
    %min3A_143 = arith.minsi %min3A_142, %max3A_141 : vector<16xi32>
    %add3A_144 = arith.constant -1 : i32
    %add3A_145 = vector.broadcast %add3A_144 : i32 to vector<16xi32>
    %add3A_146 = arith.addi %get3A_17, %add3A_145 : vector<16xi32>
    %jit3A_147 = arith.constant 0 : i32
    %jit3A_148 = arith.constant 511 : i32
    %max3A_149 = vector.broadcast %jit3A_147 : i32 to vector<16xi32>
    %max3A_150 = arith.maxsi %max3A_149, %add3A_146 : vector<16xi32>
    %min3A_151 = vector.broadcast %jit3A_148 : i32 to vector<16xi32>
    %min3A_152 = arith.minsi %min3A_151, %max3A_150 : vector<16xi32>
    %mul3A_153 = arith.constant 512 : i32
    %mul3A_154 = vector.broadcast %mul3A_153 : i32 to vector<16xi32>
    %mul3A_155 = arith.muli %min3A_143, %mul3A_154 : vector<16xi32>
    %add3A_156 = arith.addi %add3A_57, %mul3A_155 : vector<16xi32>
    %add3A_157 = arith.addi %add3A_156, %min3A_152 : vector<16xi32>
    %swap3A_158 = arith.constant 192 : index
    %swap3A_159 = tpu.vector_load %arg10[%swap3A_158] {strides = array<i32>} : memref<576xi32, #tpu.memory_space<vmem>>, vector<16xi32>,
    %swap3A_160 = vector.shape_cast %swap3A_159 : vector<16xi32> to vector<16xi32>
    %swap3A_161 = vector.shape_cast %add3A_157 : vector<16xi32> to vector<16xi32>
    tpu.vector_store %arg10[%swap3A_158], %swap3A_161 {strides = array<i32>} : memref<576xi32, #tpu.memory_space<vmem>>, vector<16xi32>,
    %add3A_162 = arith.constant 0 : i32
    %add3A_163 = vector.broadcast %add3A_162 : i32 to vector<16xi32>
    %add3A_164 = arith.addi %get3A_20, %add3A_163 : vector<16xi32>
    %jit3A_165 = arith.constant 0 : i32
    %jit3A_166 = arith.constant 511 : i32
    %max3A_167 = vector.broadcast %jit3A_165 : i32 to vector<16xi32>
    %max3A_168 = arith.maxsi %max3A_167, %add3A_164 : vector<16xi32>
    %min3A_169 = vector.broadcast %jit3A_166 : i32 to vector<16xi32>
    %min3A_170 = arith.minsi %min3A_169, %max3A_168 : vector<16xi32>
    %add3A_171 = arith.constant 0 : i32
    %add3A_172 = vector.broadcast %add3A_171 : i32 to vector<16xi32>
    %add3A_173 = arith.addi %get3A_17, %add3A_172 : vector<16xi32>
    %jit3A_174 = arith.constant 0 : i32
    %jit3A_175 = arith.constant 511 : i32
    %max3A_176 = vector.broadcast %jit3A_174 : i32 to vector<16xi32>
    %max3A_177 = arith.maxsi %max3A_176, %add3A_173 : vector<16xi32>
    %min3A_178 = vector.broadcast %jit3A_175 : i32 to vector<16xi32>
    %min3A_179 = arith.minsi %min3A_178, %max3A_177 : vector<16xi32>
    %mul3A_180 = arith.constant 512 : i32
    %mul3A_181 = vector.broadcast %mul3A_180 : i32 to vector<16xi32>
    %mul3A_182 = arith.muli %min3A_170, %mul3A_181 : vector<16xi32>
    %add3A_183 = arith.addi %add3A_57, %mul3A_182 : vector<16xi32>
    %add3A_184 = arith.addi %add3A_183, %min3A_179 : vector<16xi32>
    %swap3A_185 = arith.constant 256 : index
    %swap3A_186 = tpu.vector_load %arg10[%swap3A_185] {strides = array<i32>} : memref<576xi32, #tpu.memory_space<vmem>>, vector<16xi32>,
    %swap3A_187 = vector.shape_cast %swap3A_186 : vector<16xi32> to vector<16xi32>
    %swap3A_188 = vector.shape_cast %add3A_184 : vector<16xi32> to vector<16xi32>
    tpu.vector_store %arg10[%swap3A_185], %swap3A_188 {strides = array<i32>} : memref<576xi32, #tpu.memory_space<vmem>>, vector<16xi32>,
    %add3A_189 = arith.constant 0 : i32
    %add3A_190 = vector.broadcast %add3A_189 : i32 to vector<16xi32>
    %add3A_191 = arith.addi %get3A_20, %add3A_190 : vector<16xi32>
    %jit3A_192 = arith.constant 0 : i32
    %jit3A_193 = arith.constant 511 : i32
    %max3A_194 = vector.broadcast %jit3A_192 : i32 to vector<16xi32>
    %max3A_195 = arith.maxsi %max3A_194, %add3A_191 : vector<16xi32>
    %min3A_196 = vector.broadcast %jit3A_193 : i32 to vector<16xi32>
    %min3A_197 = arith.minsi %min3A_196, %max3A_195 : vector<16xi32>
    %add3A_198 = arith.constant 1 : i32
    %add3A_199 = vector.broadcast %add3A_198 : i32 to vector<16xi32>
    %add3A_200 = arith.addi %get3A_17, %add3A_199 : vector<16xi32>
    %jit3A_201 = arith.constant 0 : i32
    %jit3A_202 = arith.constant 511 : i32
    %max3A_203 = vector.broadcast %jit3A_201 : i32 to vector<16xi32>
    %max3A_204 = arith.maxsi %max3A_203, %add3A_200 : vector<16xi32>
    %min3A_205 = vector.broadcast %jit3A_202 : i32 to vector<16xi32>
    %min3A_206 = arith.minsi %min3A_205, %max3A_204 : vector<16xi32>
    %mul3A_207 = arith.constant 512 : i32
    %mul3A_208 = vector.broadcast %mul3A_207 : i32 to vector<16xi32>
    %mul3A_209 = arith.muli %min3A_197, %mul3A_208 : vector<16xi32>
    %add3A_210 = arith.addi %add3A_57, %mul3A_209 : vector<16xi32>
    %add3A_211 = arith.addi %add3A_210, %min3A_206 : vector<16xi32>
    %swap3A_212 = arith.constant 320 : index
    %swap3A_213 = tpu.vector_load %arg10[%swap3A_212] {strides = array<i32>} : memref<576xi32, #tpu.memory_space<vmem>>, vector<16xi32>,
    %swap3A_214 = vector.shape_cast %swap3A_213 : vector<16xi32> to vector<16xi32>
    %swap3A_215 = vector.shape_cast %add3A_211 : vector<16xi32> to vector<16xi32>
    tpu.vector_store %arg10[%swap3A_212], %swap3A_215 {strides = array<i32>} : memref<576xi32, #tpu.memory_space<vmem>>, vector<16xi32>,
    %add3A_216 = arith.constant 1 : i32
    %add3A_217 = vector.broadcast %add3A_216 : i32 to vector<16xi32>
    %add3A_218 = arith.addi %get3A_20, %add3A_217 : vector<16xi32>
    %jit3A_219 = arith.constant 0 : i32
    %jit3A_220 = arith.constant 511 : i32
    %max3A_221 = vector.broadcast %jit3A_219 : i32 to vector<16xi32>
    %max3A_222 = arith.maxsi %max3A_221, %add3A_218 : vector<16xi32>
    %min3A_223 = vector.broadcast %jit3A_220 : i32 to vector<16xi32>
    %min3A_224 = arith.minsi %min3A_223, %max3A_222 : vector<16xi32>
    %add3A_225 = arith.constant -1 : i32
    %add3A_226 = vector.broadcast %add3A_225 : i32 to vector<16xi32>
    %add3A_227 = arith.addi %get3A_17, %add3A_226 : vector<16xi32>
    %jit3A_228 = arith.constant 0 : i32
    %jit3A_229 = arith.constant 511 : i32
    %max3A_230 = vector.broadcast %jit3A_228 : i32 to vector<16xi32>
    %max3A_231 = arith.maxsi %max3A_230, %add3A_227 : vector<16xi32>
    %min3A_232 = vector.broadcast %jit3A_229 : i32 to vector<16xi32>
    %min3A_233 = arith.minsi %min3A_232, %max3A_231 : vector<16xi32>
    %mul3A_234 = arith.constant 512 : i32
    %mul3A_235 = vector.broadcast %mul3A_234 : i32 to vector<16xi32>
    %mul3A_236 = arith.muli %min3A_224, %mul3A_235 : vector<16xi32>
    %add3A_237 = arith.addi %add3A_57, %mul3A_236 : vector<16xi32>
    %add3A_238 = arith.addi %add3A_237, %min3A_233 : vector<16xi32>
    %swap3A_239 = arith.constant 384 : index
    %swap3A_240 = tpu.vector_load %arg10[%swap3A_239] {strides = array<i32>} : memref<576xi32, #tpu.memory_space<vmem>>, vector<16xi32>,
    %swap3A_241 = vector.shape_cast %swap3A_240 : vector<16xi32> to vector<16xi32>
    %swap3A_242 = vector.shape_cast %add3A_238 : vector<16xi32> to vector<16xi32>
    tpu.vector_store %arg10[%swap3A_239], %swap3A_242 {strides = array<i32>} : memref<576xi32, #tpu.memory_space<vmem>>, vector<16xi32>,
    %add3A_243 = arith.constant 1 : i32
    %add3A_244 = vector.broadcast %add3A_243 : i32 to vector<16xi32>
    %add3A_245 = arith.addi %get3A_20, %add3A_244 : vector<16xi32>
    %jit3A_246 = arith.constant 0 : i32
    %jit3A_247 = arith.constant 511 : i32
    %max3A_248 = vector.broadcast %jit3A_246 : i32 to vector<16xi32>
    %max3A_249 = arith.maxsi %max3A_248, %add3A_245 : vector<16xi32>
    %min3A_250 = vector.broadcast %jit3A_247 : i32 to vector<16xi32>
    %min3A_251 = arith.minsi %min3A_250, %max3A_249 : vector<16xi32>
    %add3A_252 = arith.constant 0 : i32
    %add3A_253 = vector.broadcast %add3A_252 : i32 to vector<16xi32>
    %add3A_254 = arith.addi %get3A_17, %add3A_253 : vector<16xi32>
    %jit3A_255 = arith.constant 0 : i32
    %jit3A_256 = arith.constant 511 : i32
    %max3A_257 = vector.broadcast %jit3A_255 : i32 to vector<16xi32>
    %max3A_258 = arith.maxsi %max3A_257, %add3A_254 : vector<16xi32>
    %min3A_259 = vector.broadcast %jit3A_256 : i32 to vector<16xi32>
    %min3A_260 = arith.minsi %min3A_259, %max3A_258 : vector<16xi32>
    %mul3A_261 = arith.constant 512 : i32
    %mul3A_262 = vector.broadcast %mul3A_261 : i32 to vector<16xi32>
    %mul3A_263 = arith.muli %min3A_251, %mul3A_262 : vector<16xi32>
    %add3A_264 = arith.addi %add3A_57, %mul3A_263 : vector<16xi32>
    %add3A_265 = arith.addi %add3A_264, %min3A_260 : vector<16xi32>
    %swap3A_266 = arith.constant 448 : index
    %swap3A_267 = tpu.vector_load %arg10[%swap3A_266] {strides = array<i32>} : memref<576xi32, #tpu.memory_space<vmem>>, vector<16xi32>,
    %swap3A_268 = vector.shape_cast %swap3A_267 : vector<16xi32> to vector<16xi32>
    %swap3A_269 = vector.shape_cast %add3A_265 : vector<16xi32> to vector<16xi32>
    tpu.vector_store %arg10[%swap3A_266], %swap3A_269 {strides = array<i32>} : memref<576xi32, #tpu.memory_space<vmem>>, vector<16xi32>,
    %add3A_270 = arith.constant 1 : i32
    %add3A_271 = vector.broadcast %add3A_270 : i32 to vector<16xi32>
    %add3A_272 = arith.addi %get3A_20, %add3A_271 : vector<16xi32>
    %jit3A_273 = arith.constant 0 : i32
    %jit3A_274 = arith.constant 511 : i32
    %max3A_275 = vector.broadcast %jit3A_273 : i32 to vector<16xi32>
    %max3A_276 = arith.maxsi %max3A_275, %add3A_272 : vector<16xi32>
    %min3A_277 = vector.broadcast %jit3A_274 : i32 to vector<16xi32>
    %min3A_278 = arith.minsi %min3A_277, %max3A_276 : vector<16xi32>
    %add3A_279 = arith.constant 1 : i32
    %add3A_280 = vector.broadcast %add3A_279 : i32 to vector<16xi32>
    %add3A_281 = arith.addi %get3A_17, %add3A_280 : vector<16xi32>
    %jit3A_282 = arith.constant 0 : i32
    %jit3A_283 = arith.constant 511 : i32
    %max3A_284 = vector.broadcast %jit3A_282 : i32 to vector<16xi32>
    %max3A_285 = arith.maxsi %max3A_284, %add3A_281 : vector<16xi32>
    %min3A_286 = vector.broadcast %jit3A_283 : i32 to vector<16xi32>
    %min3A_287 = arith.minsi %min3A_286, %max3A_285 : vector<16xi32>
    %mul3A_288 = arith.constant 512 : i32
    %mul3A_289 = vector.broadcast %mul3A_288 : i32 to vector<16xi32>
    %mul3A_290 = arith.muli %min3A_278, %mul3A_289 : vector<16xi32>
    %add3A_291 = arith.addi %add3A_57, %mul3A_290 : vector<16xi32>
    %add3A_292 = arith.addi %add3A_291, %min3A_287 : vector<16xi32>
    %swap3A_293 = arith.constant 512 : index
    %swap3A_294 = tpu.vector_load %arg10[%swap3A_293] {strides = array<i32>} : memref<576xi32, #tpu.memory_space<vmem>>, vector<16xi32>,
    %swap3A_295 = vector.shape_cast %swap3A_294 : vector<16xi32> to vector<16xi32>
    %swap3A_296 = vector.shape_cast %add3A_292 : vector<16xi32> to vector<16xi32>
    tpu.vector_store %arg10[%swap3A_293], %swap3A_296 {strides = array<i32>} : memref<576xi32, #tpu.memory_space<vmem>>, vector<16xi32>,
    %get3A_297 = arith.constant 16 : index
    %get3A_298 = tpu.vector_load %arg7[%get3A_297] {strides = array<i32>} : memref<64xi32, #tpu.memory_space<vmem>>, vector<16xi32>,
    %get3A_299 = vector.shape_cast %get3A_298 : vector<16xi32> to vector<16xi32>
    %get3A_300 = arith.constant 16 : index
    %get3A_301 = tpu.vector_load %arg8[%get3A_300] {strides = array<i32>} : memref<64xi32, #tpu.memory_space<vmem>>, vector<16xi32>,
    %get3A_302 = vector.shape_cast %get3A_301 : vector<16xi32> to vector<16xi32>
    %add3A_303 = arith.constant 16 : i32
    %add3A_304 = arith.addi %mul3A_2, %add3A_303 : i32
    %iota3A_305 = tpu.iota {dimensions = array<i32: 0>} : vector<16xi32>
    %add3A_306 = vector.broadcast %add3A_304 : i32 to vector<16xi32>
    %add3A_307 = arith.addi %add3A_306, %iota3A_305 : vector<16xi32>
    %ge3A_308 = arith.constant 200 : i32
    %ge3A_309 = vector.broadcast %ge3A_308 : i32 to vector<16xi32>
    %ge3A_310 = arith.cmpi sge, %add3A_307, %ge3A_309 : vector<16xi32>
    %select_n3A_311 = arith.select %ge3A_310, %add3A_6, %broadcast_in_dim3A_8 : vector<16xi1>, vector<16xi32>
    %add3A_312 = arith.addi %broadcast_in_dim3A_8, %select_n3A_311 : vector<16xi32>
    %ge3A_313 = arith.constant 400 : i32
    %ge3A_314 = vector.broadcast %ge3A_313 : i32 to vector<16xi32>
    %ge3A_315 = arith.cmpi sge, %add3A_307, %ge3A_314 : vector<16xi32>
    %select_n3A_316 = arith.select %ge3A_315, %add3A_6, %broadcast_in_dim3A_8 : vector<16xi1>, vector<16xi32>
    %add3A_317 = arith.addi %add3A_312, %select_n3A_316 : vector<16xi32>
    %ge3A_318 = arith.constant 600 : i32
    %ge3A_319 = vector.broadcast %ge3A_318 : i32 to vector<16xi32>
    %ge3A_320 = arith.cmpi sge, %add3A_307, %ge3A_319 : vector<16xi32>
    %select_n3A_321 = arith.select %ge3A_320, %add3A_6, %broadcast_in_dim3A_8 : vector<16xi1>, vector<16xi32>
    %add3A_322 = arith.addi %add3A_317, %select_n3A_321 : vector<16xi32>
    %ge3A_323 = arith.constant 800 : i32
    %ge3A_324 = vector.broadcast %ge3A_323 : i32 to vector<16xi32>
    %ge3A_325 = arith.cmpi sge, %add3A_307, %ge3A_324 : vector<16xi32>
    %select_n3A_326 = arith.select %ge3A_325, %add3A_6, %broadcast_in_dim3A_8 : vector<16xi1>, vector<16xi32>
    %add3A_327 = arith.addi %add3A_322, %select_n3A_326 : vector<16xi32>
    %ge3A_328 = arith.constant 1000 : i32
    %ge3A_329 = vector.broadcast %ge3A_328 : i32 to vector<16xi32>
    %ge3A_330 = arith.cmpi sge, %add3A_307, %ge3A_329 : vector<16xi32>
    %select_n3A_331 = arith.select %ge3A_330, %add3A_6, %broadcast_in_dim3A_8 : vector<16xi1>, vector<16xi32>
    %add3A_332 = arith.addi %add3A_327, %select_n3A_331 : vector<16xi32>
    %ge3A_333 = arith.constant 1200 : i32
    %ge3A_334 = vector.broadcast %ge3A_333 : i32 to vector<16xi32>
    %ge3A_335 = arith.cmpi sge, %add3A_307, %ge3A_334 : vector<16xi32>
    %select_n3A_336 = arith.select %ge3A_335, %add3A_6, %broadcast_in_dim3A_8 : vector<16xi1>, vector<16xi32>
    %add3A_337 = arith.addi %add3A_332, %select_n3A_336 : vector<16xi32>
    %ge3A_338 = arith.constant 1400 : i32
    %ge3A_339 = vector.broadcast %ge3A_338 : i32 to vector<16xi32>
    %ge3A_340 = arith.cmpi sge, %add3A_307, %ge3A_339 : vector<16xi32>
    %select_n3A_341 = arith.select %ge3A_340, %add3A_6, %broadcast_in_dim3A_8 : vector<16xi1>, vector<16xi32>
    %add3A_342 = arith.addi %add3A_337, %select_n3A_341 : vector<16xi32>
    %add3A_343 = arith.constant -1 : i32
    %add3A_344 = vector.broadcast %add3A_343 : i32 to vector<16xi32>
    %add3A_345 = arith.addi %get3A_302, %add3A_344 : vector<16xi32>
    %jit3A_346 = arith.constant 0 : i32
    %jit3A_347 = arith.constant 511 : i32
    %max3A_348 = vector.broadcast %jit3A_346 : i32 to vector<16xi32>
    %max3A_349 = arith.maxsi %max3A_348, %add3A_345 : vector<16xi32>
    %min3A_350 = vector.broadcast %jit3A_347 : i32 to vector<16xi32>
    %min3A_351 = arith.minsi %min3A_350, %max3A_349 : vector<16xi32>
    %add3A_352 = arith.constant -1 : i32
    %add3A_353 = vector.broadcast %add3A_352 : i32 to vector<16xi32>
    %add3A_354 = arith.addi %get3A_299, %add3A_353 : vector<16xi32>
    %jit3A_355 = arith.constant 0 : i32
    %jit3A_356 = arith.constant 511 : i32
    %max3A_357 = vector.broadcast %jit3A_355 : i32 to vector<16xi32>
    %max3A_358 = arith.maxsi %max3A_357, %add3A_354 : vector<16xi32>
    %min3A_359 = vector.broadcast %jit3A_356 : i32 to vector<16xi32>
    %min3A_360 = arith.minsi %min3A_359, %max3A_358 : vector<16xi32>
    %mul3A_361 = arith.constant 512 : i32
    %mul3A_362 = vector.broadcast %mul3A_361 : i32 to vector<16xi32>
    %mul3A_363 = arith.muli %min3A_351, %mul3A_362 : vector<16xi32>
    %add3A_364 = arith.addi %add3A_342, %mul3A_363 : vector<16xi32>
    %add3A_365 = arith.addi %add3A_364, %min3A_360 : vector<16xi32>
    %swap3A_366 = arith.constant 16 : index
    %swap3A_367 = tpu.vector_load %arg10[%swap3A_366] {strides = array<i32>} : memref<576xi32, #tpu.memory_space<vmem>>, vector<16xi32>,
    %swap3A_368 = vector.shape_cast %swap3A_367 : vector<16xi32> to vector<16xi32>
    %swap3A_369 = vector.shape_cast %add3A_365 : vector<16xi32> to vector<16xi32>
    tpu.vector_store %arg10[%swap3A_366], %swap3A_369 {strides = array<i32>} : memref<576xi32, #tpu.memory_space<vmem>>, vector<16xi32>,
    %add3A_370 = arith.constant -1 : i32
    %add3A_371 = vector.broadcast %add3A_370 : i32 to vector<16xi32>
    %add3A_372 = arith.addi %get3A_302, %add3A_371 : vector<16xi32>
    %jit3A_373 = arith.constant 0 : i32
    %jit3A_374 = arith.constant 511 : i32
    %max3A_375 = vector.broadcast %jit3A_373 : i32 to vector<16xi32>
    %max3A_376 = arith.maxsi %max3A_375, %add3A_372 : vector<16xi32>
    %min3A_377 = vector.broadcast %jit3A_374 : i32 to vector<16xi32>
    %min3A_378 = arith.minsi %min3A_377, %max3A_376 : vector<16xi32>
    %add3A_379 = arith.constant 0 : i32
    %add3A_380 = vector.broadcast %add3A_379 : i32 to vector<16xi32>
    %add3A_381 = arith.addi %get3A_299, %add3A_380 : vector<16xi32>
    %jit3A_382 = arith.constant 0 : i32
    %jit3A_383 = arith.constant 511 : i32
    %max3A_384 = vector.broadcast %jit3A_382 : i32 to vector<16xi32>
    %max3A_385 = arith.maxsi %max3A_384, %add3A_381 : vector<16xi32>
    %min3A_386 = vector.broadcast %jit3A_383 : i32 to vector<16xi32>
    %min3A_387 = arith.minsi %min3A_386, %max3A_385 : vector<16xi32>
    %mul3A_388 = arith.constant 512 : i32
    %mul3A_389 = vector.broadcast %mul3A_388 : i32 to vector<16xi32>
    %mul3A_390 = arith.muli %min3A_378, %mul3A_389 : vector<16xi32>
    %add3A_391 = arith.addi %add3A_342, %mul3A_390 : vector<16xi32>
    %add3A_392 = arith.addi %add3A_391, %min3A_387 : vector<16xi32>
    %swap3A_393 = arith.constant 80 : index
    %swap3A_394 = tpu.vector_load %arg10[%swap3A_393] {strides = array<i32>} : memref<576xi32, #tpu.memory_space<vmem>>, vector<16xi32>,
    %swap3A_395 = vector.shape_cast %swap3A_394 : vector<16xi32> to vector<16xi32>
    %swap3A_396 = vector.shape_cast %add3A_392 : vector<16xi32> to vector<16xi32>
    tpu.vector_store %arg10[%swap3A_393], %swap3A_396 {strides = array<i32>} : memref<576xi32, #tpu.memory_space<vmem>>, vector<16xi32>,
    %add3A_397 = arith.constant -1 : i32
    %add3A_398 = vector.broadcast %add3A_397 : i32 to vector<16xi32>
    %add3A_399 = arith.addi %get3A_302, %add3A_398 : vector<16xi32>
    %jit3A_400 = arith.constant 0 : i32
    %jit3A_401 = arith.constant 511 : i32
    %max3A_402 = vector.broadcast %jit3A_400 : i32 to vector<16xi32>
    %max3A_403 = arith.maxsi %max3A_402, %add3A_399 : vector<16xi32>
    %min3A_404 = vector.broadcast %jit3A_401 : i32 to vector<16xi32>
    %min3A_405 = arith.minsi %min3A_404, %max3A_403 : vector<16xi32>
    %add3A_406 = arith.constant 1 : i32
    %add3A_407 = vector.broadcast %add3A_406 : i32 to vector<16xi32>
    %add3A_408 = arith.addi %get3A_299, %add3A_407 : vector<16xi32>
    %jit3A_409 = arith.constant 0 : i32
    %jit3A_410 = arith.constant 511 : i32
    %max3A_411 = vector.broadcast %jit3A_409 : i32 to vector<16xi32>
    %max3A_412 = arith.maxsi %max3A_411, %add3A_408 : vector<16xi32>
    %min3A_413 = vector.broadcast %jit3A_410 : i32 to vector<16xi32>
    %min3A_414 = arith.minsi %min3A_413, %max3A_412 : vector<16xi32>
    %mul3A_415 = arith.constant 512 : i32
    %mul3A_416 = vector.broadcast %mul3A_415 : i32 to vector<16xi32>
    %mul3A_417 = arith.muli %min3A_405, %mul3A_416 : vector<16xi32>
    %add3A_418 = arith.addi %add3A_342, %mul3A_417 : vector<16xi32>
    %add3A_419 = arith.addi %add3A_418, %min3A_414 : vector<16xi32>
    %swap3A_420 = arith.constant 144 : index
    %swap3A_421 = tpu.vector_load %arg10[%swap3A_420] {strides = array<i32>} : memref<576xi32, #tpu.memory_space<vmem>>, vector<16xi32>,
    %swap3A_422 = vector.shape_cast %swap3A_421 : vector<16xi32> to vector<16xi32>
    %swap3A_423 = vector.shape_cast %add3A_419 : vector<16xi32> to vector<16xi32>
    tpu.vector_store %arg10[%swap3A_420], %swap3A_423 {strides = array<i32>} : memref<576xi32, #tpu.memory_space<vmem>>, vector<16xi32>,
    %add3A_424 = arith.constant 0 : i32
    %add3A_425 = vector.broadcast %add3A_424 : i32 to vector<16xi32>
    %add3A_426 = arith.addi %get3A_302, %add3A_425 : vector<16xi32>
    %jit3A_427 = arith.constant 0 : i32
    %jit3A_428 = arith.constant 511 : i32
    %max3A_429 = vector.broadcast %jit3A_427 : i32 to vector<16xi32>
    %max3A_430 = arith.maxsi %max3A_429, %add3A_426 : vector<16xi32>
    %min3A_431 = vector.broadcast %jit3A_428 : i32 to vector<16xi32>
    %min3A_432 = arith.minsi %min3A_431, %max3A_430 : vector<16xi32>
    %add3A_433 = arith.constant -1 : i32
    %add3A_434 = vector.broadcast %add3A_433 : i32 to vector<16xi32>
    %add3A_435 = arith.addi %get3A_299, %add3A_434 : vector<16xi32>
    %jit3A_436 = arith.constant 0 : i32
    %jit3A_437 = arith.constant 511 : i32
    %max3A_438 = vector.broadcast %jit3A_436 : i32 to vector<16xi32>
    %max3A_439 = arith.maxsi %max3A_438, %add3A_435 : vector<16xi32>
    %min3A_440 = vector.broadcast %jit3A_437 : i32 to vector<16xi32>
    %min3A_441 = arith.minsi %min3A_440, %max3A_439 : vector<16xi32>
    %mul3A_442 = arith.constant 512 : i32
    %mul3A_443 = vector.broadcast %mul3A_442 : i32 to vector<16xi32>
    %mul3A_444 = arith.muli %min3A_432, %mul3A_443 : vector<16xi32>
    %add3A_445 = arith.addi %add3A_342, %mul3A_444 : vector<16xi32>
    %add3A_446 = arith.addi %add3A_445, %min3A_441 : vector<16xi32>
    %swap3A_447 = arith.constant 208 : index
    %swap3A_448 = tpu.vector_load %arg10[%swap3A_447] {strides = array<i32>} : memref<576xi32, #tpu.memory_space<vmem>>, vector<16xi32>,
    %swap3A_449 = vector.shape_cast %swap3A_448 : vector<16xi32> to vector<16xi32>
    %swap3A_450 = vector.shape_cast %add3A_446 : vector<16xi32> to vector<16xi32>
    tpu.vector_store %arg10[%swap3A_447], %swap3A_450 {strides = array<i32>} : memref<576xi32, #tpu.memory_space<vmem>>, vector<16xi32>,
    %add3A_451 = arith.constant 0 : i32
    %add3A_452 = vector.broadcast %add3A_451 : i32 to vector<16xi32>
    %add3A_453 = arith.addi %get3A_302, %add3A_452 : vector<16xi32>
    %jit3A_454 = arith.constant 0 : i32
    %jit3A_455 = arith.constant 511 : i32
    %max3A_456 = vector.broadcast %jit3A_454 : i32 to vector<16xi32>
    %max3A_457 = arith.maxsi %max3A_456, %add3A_453 : vector<16xi32>
    %min3A_458 = vector.broadcast %jit3A_455 : i32 to vector<16xi32>
    %min3A_459 = arith.minsi %min3A_458, %max3A_457 : vector<16xi32>
    %add3A_460 = arith.constant 0 : i32
    %add3A_461 = vector.broadcast %add3A_460 : i32 to vector<16xi32>
    %add3A_462 = arith.addi %get3A_299, %add3A_461 : vector<16xi32>
    %jit3A_463 = arith.constant 0 : i32
    %jit3A_464 = arith.constant 511 : i32
    %max3A_465 = vector.broadcast %jit3A_463 : i32 to vector<16xi32>
    %max3A_466 = arith.maxsi %max3A_465, %add3A_462 : vector<16xi32>
    %min3A_467 = vector.broadcast %jit3A_464 : i32 to vector<16xi32>
    %min3A_468 = arith.minsi %min3A_467, %max3A_466 : vector<16xi32>
    %mul3A_469 = arith.constant 512 : i32
    %mul3A_470 = vector.broadcast %mul3A_469 : i32 to vector<16xi32>
    %mul3A_471 = arith.muli %min3A_459, %mul3A_470 : vector<16xi32>
    %add3A_472 = arith.addi %add3A_342, %mul3A_471 : vector<16xi32>
    %add3A_473 = arith.addi %add3A_472, %min3A_468 : vector<16xi32>
    %swap3A_474 = arith.constant 272 : index
    %swap3A_475 = tpu.vector_load %arg10[%swap3A_474] {strides = array<i32>} : memref<576xi32, #tpu.memory_space<vmem>>, vector<16xi32>,
    %swap3A_476 = vector.shape_cast %swap3A_475 : vector<16xi32> to vector<16xi32>
    %swap3A_477 = vector.shape_cast %add3A_473 : vector<16xi32> to vector<16xi32>
    tpu.vector_store %arg10[%swap3A_474], %swap3A_477 {strides = array<i32>} : memref<576xi32, #tpu.memory_space<vmem>>, vector<16xi32>,
    %add3A_478 = arith.constant 0 : i32
    %add3A_479 = vector.broadcast %add3A_478 : i32 to vector<16xi32>
    %add3A_480 = arith.addi %get3A_302, %add3A_479 : vector<16xi32>
    %jit3A_481 = arith.constant 0 : i32
    %jit3A_482 = arith.constant 511 : i32
    %max3A_483 = vector.broadcast %jit3A_481 : i32 to vector<16xi32>
    %max3A_484 = arith.maxsi %max3A_483, %add3A_480 : vector<16xi32>
    %min3A_485 = vector.broadcast %jit3A_482 : i32 to vector<16xi32>
    %min3A_486 = arith.minsi %min3A_485, %max3A_484 : vector<16xi32>
    %add3A_487 = arith.constant 1 : i32
    %add3A_488 = vector.broadcast %add3A_487 : i32 to vector<16xi32>
    %add3A_489 = arith.addi %get3A_299, %add3A_488 : vector<16xi32>
    %jit3A_490 = arith.constant 0 : i32
    %jit3A_491 = arith.constant 511 : i32
    %max3A_492 = vector.broadcast %jit3A_490 : i32 to vector<16xi32>
    %max3A_493 = arith.maxsi %max3A_492, %add3A_489 : vector<16xi32>
    %min3A_494 = vector.broadcast %jit3A_491 : i32 to vector<16xi32>
    %min3A_495 = arith.minsi %min3A_494, %max3A_493 : vector<16xi32>
    %mul3A_496 = arith.constant 512 : i32
    %mul3A_497 = vector.broadcast %mul3A_496 : i32 to vector<16xi32>
    %mul3A_498 = arith.muli %min3A_486, %mul3A_497 : vector<16xi32>
    %add3A_499 = arith.addi %add3A_342, %mul3A_498 : vector<16xi32>
    %add3A_500 = arith.addi %add3A_499, %min3A_495 : vector<16xi32>
    %swap3A_501 = arith.constant 336 : index
    %swap3A_502 = tpu.vector_load %arg10[%swap3A_501] {strides = array<i32>} : memref<576xi32, #tpu.memory_space<vmem>>, vector<16xi32>,
    %swap3A_503 = vector.shape_cast %swap3A_502 : vector<16xi32> to vector<16xi32>
    %swap3A_504 = vector.shape_cast %add3A_500 : vector<16xi32> to vector<16xi32>
    tpu.vector_store %arg10[%swap3A_501], %swap3A_504 {strides = array<i32>} : memref<576xi32, #tpu.memory_space<vmem>>, vector<16xi32>,
    %add3A_505 = arith.constant 1 : i32
    %add3A_506 = vector.broadcast %add3A_505 : i32 to vector<16xi32>
    %add3A_507 = arith.addi %get3A_302, %add3A_506 : vector<16xi32>
    %jit3A_508 = arith.constant 0 : i32
    %jit3A_509 = arith.constant 511 : i32
    %max3A_510 = vector.broadcast %jit3A_508 : i32 to vector<16xi32>
    %max3A_511 = arith.maxsi %max3A_510, %add3A_507 : vector<16xi32>
    %min3A_512 = vector.broadcast %jit3A_509 : i32 to vector<16xi32>
    %min3A_513 = arith.minsi %min3A_512, %max3A_511 : vector<16xi32>
    %add3A_514 = arith.constant -1 : i32
    %add3A_515 = vector.broadcast %add3A_514 : i32 to vector<16xi32>
    %add3A_516 = arith.addi %get3A_299, %add3A_515 : vector<16xi32>
    %jit3A_517 = arith.constant 0 : i32
    %jit3A_518 = arith.constant 511 : i32
    %max3A_519 = vector.broadcast %jit3A_517 : i32 to vector<16xi32>
    %max3A_520 = arith.maxsi %max3A_519, %add3A_516 : vector<16xi32>
    %min3A_521 = vector.broadcast %jit3A_518 : i32 to vector<16xi32>
    %min3A_522 = arith.minsi %min3A_521, %max3A_520 : vector<16xi32>
    %mul3A_523 = arith.constant 512 : i32
    %mul3A_524 = vector.broadcast %mul3A_523 : i32 to vector<16xi32>
    %mul3A_525 = arith.muli %min3A_513, %mul3A_524 : vector<16xi32>
    %add3A_526 = arith.addi %add3A_342, %mul3A_525 : vector<16xi32>
    %add3A_527 = arith.addi %add3A_526, %min3A_522 : vector<16xi32>
    %swap3A_528 = arith.constant 400 : index
    %swap3A_529 = tpu.vector_load %arg10[%swap3A_528] {strides = array<i32>} : memref<576xi32, #tpu.memory_space<vmem>>, vector<16xi32>,
    %swap3A_530 = vector.shape_cast %swap3A_529 : vector<16xi32> to vector<16xi32>
    %swap3A_531 = vector.shape_cast %add3A_527 : vector<16xi32> to vector<16xi32>
    tpu.vector_store %arg10[%swap3A_528], %swap3A_531 {strides = array<i32>} : memref<576xi32, #tpu.memory_space<vmem>>, vector<16xi32>,
    %add3A_532 = arith.constant 1 : i32
    %add3A_533 = vector.broadcast %add3A_532 : i32 to vector<16xi32>
    %add3A_534 = arith.addi %get3A_302, %add3A_533 : vector<16xi32>
    %jit3A_535 = arith.constant 0 : i32
    %jit3A_536 = arith.constant 511 : i32
    %max3A_537 = vector.broadcast %jit3A_535 : i32 to vector<16xi32>
    %max3A_538 = arith.maxsi %max3A_537, %add3A_534 : vector<16xi32>
    %min3A_539 = vector.broadcast %jit3A_536 : i32 to vector<16xi32>
    %min3A_540 = arith.minsi %min3A_539, %max3A_538 : vector<16xi32>
    %add3A_541 = arith.constant 0 : i32
    %add3A_542 = vector.broadcast %add3A_541 : i32 to vector<16xi32>
    %add3A_543 = arith.addi %get3A_299, %add3A_542 : vector<16xi32>
    %jit3A_544 = arith.constant 0 : i32
    %jit3A_545 = arith.constant 511 : i32
    %max3A_546 = vector.broadcast %jit3A_544 : i32 to vector<16xi32>
    %max3A_547 = arith.maxsi %max3A_546, %add3A_543 : vector<16xi32>
    %min3A_548 = vector.broadcast %jit3A_545 : i32 to vector<16xi32>
    %min3A_549 = arith.minsi %min3A_548, %max3A_547 : vector<16xi32>
    %mul3A_550 = arith.constant 512 : i32
    %mul3A_551 = vector.broadcast %mul3A_550 : i32 to vector<16xi32>
    %mul3A_552 = arith.muli %min3A_540, %mul3A_551 : vector<16xi32>
    %add3A_553 = arith.addi %add3A_342, %mul3A_552 : vector<16xi32>
    %add3A_554 = arith.addi %add3A_553, %min3A_549 : vector<16xi32>
    %swap3A_555 = arith.constant 464 : index
    %swap3A_556 = tpu.vector_load %arg10[%swap3A_555] {strides = array<i32>} : memref<576xi32, #tpu.memory_space<vmem>>, vector<16xi32>,
    %swap3A_557 = vector.shape_cast %swap3A_556 : vector<16xi32> to vector<16xi32>
    %swap3A_558 = vector.shape_cast %add3A_554 : vector<16xi32> to vector<16xi32>
    tpu.vector_store %arg10[%swap3A_555], %swap3A_558 {strides = array<i32>} : memref<576xi32, #tpu.memory_space<vmem>>, vector<16xi32>,
    %add3A_559 = arith.constant 1 : i32
    %add3A_560 = vector.broadcast %add3A_559 : i32 to vector<16xi32>
    %add3A_561 = arith.addi %get3A_302, %add3A_560 : vector<16xi32>
    %jit3A_562 = arith.constant 0 : i32
    %jit3A_563 = arith.constant 511 : i32
    %max3A_564 = vector.broadcast %jit3A_562 : i32 to vector<16xi32>
    %max3A_565 = arith.maxsi %max3A_564, %add3A_561 : vector<16xi32>
    %min3A_566 = vector.broadcast %jit3A_563 : i32 to vector<16xi32>
    %min3A_567 = arith.minsi %min3A_566, %max3A_565 : vector<16xi32>
    %add3A_568 = arith.constant 1 : i32
    %add3A_569 = vector.broadcast %add3A_568 : i32 to vector<16xi32>
    %add3A_570 = arith.addi %get3A_299, %add3A_569 : vector<16xi32>
    %jit3A_571 = arith.constant 0 : i32
    %jit3A_572 = arith.constant 511 : i32
    %max3A_573 = vector.broadcast %jit3A_571 : i32 to vector<16xi32>
    %max3A_574 = arith.maxsi %max3A_573, %add3A_570 : vector<16xi32>
    %min3A_575 = vector.broadcast %jit3A_572 : i32 to vector<16xi32>
    %min3A_576 = arith.minsi %min3A_575, %max3A_574 : vector<16xi32>
    %mul3A_577 = arith.constant 512 : i32
    %mul3A_578 = vector.broadcast %mul3A_577 : i32 to vector<16xi32>
    %mul3A_579 = arith.muli %min3A_567, %mul3A_578 : vector<16xi32>
    %add3A_580 = arith.addi %add3A_342, %mul3A_579 : vector<16xi32>
    %add3A_581 = arith.addi %add3A_580, %min3A_576 : vector<16xi32>
    %swap3A_582 = arith.constant 528 : index
    %swap3A_583 = tpu.vector_load %arg10[%swap3A_582] {strides = array<i32>} : memref<576xi32, #tpu.memory_space<vmem>>, vector<16xi32>,
    %swap3A_584 = vector.shape_cast %swap3A_583 : vector<16xi32> to vector<16xi32>
    %swap3A_585 = vector.shape_cast %add3A_581 : vector<16xi32> to vector<16xi32>
    tpu.vector_store %arg10[%swap3A_582], %swap3A_585 {strides = array<i32>} : memref<576xi32, #tpu.memory_space<vmem>>, vector<16xi32>,
    %get3A_586 = arith.constant 32 : index
    %get3A_587 = tpu.vector_load %arg7[%get3A_586] {strides = array<i32>} : memref<64xi32, #tpu.memory_space<vmem>>, vector<16xi32>,
    %get3A_588 = vector.shape_cast %get3A_587 : vector<16xi32> to vector<16xi32>
    %get3A_589 = arith.constant 32 : index
    %get3A_590 = tpu.vector_load %arg8[%get3A_589] {strides = array<i32>} : memref<64xi32, #tpu.memory_space<vmem>>, vector<16xi32>,
    %get3A_591 = vector.shape_cast %get3A_590 : vector<16xi32> to vector<16xi32>
    %add3A_592 = arith.constant 32 : i32
    %add3A_593 = arith.addi %mul3A_2, %add3A_592 : i32
    %iota3A_594 = tpu.iota {dimensions = array<i32: 0>} : vector<16xi32>
    %add3A_595 = vector.broadcast %add3A_593 : i32 to vector<16xi32>
    %add3A_596 = arith.addi %add3A_595, %iota3A_594 : vector<16xi32>
    %ge3A_597 = arith.constant 200 : i32
    %ge3A_598 = vector.broadcast %ge3A_597 : i32 to vector<16xi32>
    %ge3A_599 = arith.cmpi sge, %add3A_596, %ge3A_598 : vector<16xi32>
    %select_n3A_600 = arith.select %ge3A_599, %add3A_6, %broadcast_in_dim3A_8 : vector<16xi1>, vector<16xi32>
    %add3A_601 = arith.addi %broadcast_in_dim3A_8, %select_n3A_600 : vector<16xi32>
    %ge3A_602 = arith.constant 400 : i32
    %ge3A_603 = vector.broadcast %ge3A_602 : i32 to vector<16xi32>
    %ge3A_604 = arith.cmpi sge, %add3A_596, %ge3A_603 : vector<16xi32>
    %select_n3A_605 = arith.select %ge3A_604, %add3A_6, %broadcast_in_dim3A_8 : vector<16xi1>, vector<16xi32>
    %add3A_606 = arith.addi %add3A_601, %select_n3A_605 : vector<16xi32>
    %ge3A_607 = arith.constant 600 : i32
    %ge3A_608 = vector.broadcast %ge3A_607 : i32 to vector<16xi32>
    %ge3A_609 = arith.cmpi sge, %add3A_596, %ge3A_608 : vector<16xi32>
    %select_n3A_610 = arith.select %ge3A_609, %add3A_6, %broadcast_in_dim3A_8 : vector<16xi1>, vector<16xi32>
    %add3A_611 = arith.addi %add3A_606, %select_n3A_610 : vector<16xi32>
    %ge3A_612 = arith.constant 800 : i32
    %ge3A_613 = vector.broadcast %ge3A_612 : i32 to vector<16xi32>
    %ge3A_614 = arith.cmpi sge, %add3A_596, %ge3A_613 : vector<16xi32>
    %select_n3A_615 = arith.select %ge3A_614, %add3A_6, %broadcast_in_dim3A_8 : vector<16xi1>, vector<16xi32>
    %add3A_616 = arith.addi %add3A_611, %select_n3A_615 : vector<16xi32>
    %ge3A_617 = arith.constant 1000 : i32
    %ge3A_618 = vector.broadcast %ge3A_617 : i32 to vector<16xi32>
    %ge3A_619 = arith.cmpi sge, %add3A_596, %ge3A_618 : vector<16xi32>
    %select_n3A_620 = arith.select %ge3A_619, %add3A_6, %broadcast_in_dim3A_8 : vector<16xi1>, vector<16xi32>
    %add3A_621 = arith.addi %add3A_616, %select_n3A_620 : vector<16xi32>
    %ge3A_622 = arith.constant 1200 : i32
    %ge3A_623 = vector.broadcast %ge3A_622 : i32 to vector<16xi32>
    %ge3A_624 = arith.cmpi sge, %add3A_596, %ge3A_623 : vector<16xi32>
    %select_n3A_625 = arith.select %ge3A_624, %add3A_6, %broadcast_in_dim3A_8 : vector<16xi1>, vector<16xi32>
    %add3A_626 = arith.addi %add3A_621, %select_n3A_625 : vector<16xi32>
    %ge3A_627 = arith.constant 1400 : i32
    %ge3A_628 = vector.broadcast %ge3A_627 : i32 to vector<16xi32>
    %ge3A_629 = arith.cmpi sge, %add3A_596, %ge3A_628 : vector<16xi32>
    %select_n3A_630 = arith.select %ge3A_629, %add3A_6, %broadcast_in_dim3A_8 : vector<16xi1>, vector<16xi32>
    %add3A_631 = arith.addi %add3A_626, %select_n3A_630 : vector<16xi32>
    %add3A_632 = arith.constant -1 : i32
    %add3A_633 = vector.broadcast %add3A_632 : i32 to vector<16xi32>
    %add3A_634 = arith.addi %get3A_591, %add3A_633 : vector<16xi32>
    %jit3A_635 = arith.constant 0 : i32
    %jit3A_636 = arith.constant 511 : i32
    %max3A_637 = vector.broadcast %jit3A_635 : i32 to vector<16xi32>
    %max3A_638 = arith.maxsi %max3A_637, %add3A_634 : vector<16xi32>
    %min3A_639 = vector.broadcast %jit3A_636 : i32 to vector<16xi32>
    %min3A_640 = arith.minsi %min3A_639, %max3A_638 : vector<16xi32>
    %add3A_641 = arith.constant -1 : i32
    %add3A_642 = vector.broadcast %add3A_641 : i32 to vector<16xi32>
    %add3A_643 = arith.addi %get3A_588, %add3A_642 : vector<16xi32>
    %jit3A_644 = arith.constant 0 : i32
    %jit3A_645 = arith.constant 511 : i32
    %max3A_646 = vector.broadcast %jit3A_644 : i32 to vector<16xi32>
    %max3A_647 = arith.maxsi %max3A_646, %add3A_643 : vector<16xi32>
    %min3A_648 = vector.broadcast %jit3A_645 : i32 to vector<16xi32>
    %min3A_649 = arith.minsi %min3A_648, %max3A_647 : vector<16xi32>
    %mul3A_650 = arith.constant 512 : i32
    %mul3A_651 = vector.broadcast %mul3A_650 : i32 to vector<16xi32>
    %mul3A_652 = arith.muli %min3A_640, %mul3A_651 : vector<16xi32>
    %add3A_653 = arith.addi %add3A_631, %mul3A_652 : vector<16xi32>
    %add3A_654 = arith.addi %add3A_653, %min3A_649 : vector<16xi32>
    %swap3A_655 = arith.constant 32 : index
    %swap3A_656 = tpu.vector_load %arg10[%swap3A_655] {strides = array<i32>} : memref<576xi32, #tpu.memory_space<vmem>>, vector<16xi32>,
    %swap3A_657 = vector.shape_cast %swap3A_656 : vector<16xi32> to vector<16xi32>
    %swap3A_658 = vector.shape_cast %add3A_654 : vector<16xi32> to vector<16xi32>
    tpu.vector_store %arg10[%swap3A_655], %swap3A_658 {strides = array<i32>} : memref<576xi32, #tpu.memory_space<vmem>>, vector<16xi32>,
    %add3A_659 = arith.constant -1 : i32
    %add3A_660 = vector.broadcast %add3A_659 : i32 to vector<16xi32>
    %add3A_661 = arith.addi %get3A_591, %add3A_660 : vector<16xi32>
    %jit3A_662 = arith.constant 0 : i32
    %jit3A_663 = arith.constant 511 : i32
    %max3A_664 = vector.broadcast %jit3A_662 : i32 to vector<16xi32>
    %max3A_665 = arith.maxsi %max3A_664, %add3A_661 : vector<16xi32>
    %min3A_666 = vector.broadcast %jit3A_663 : i32 to vector<16xi32>
    %min3A_667 = arith.minsi %min3A_666, %max3A_665 : vector<16xi32>
    %add3A_668 = arith.constant 0 : i32
    %add3A_669 = vector.broadcast %add3A_668 : i32 to vector<16xi32>
    %add3A_670 = arith.addi %get3A_588, %add3A_669 : vector<16xi32>
    %jit3A_671 = arith.constant 0 : i32
    %jit3A_672 = arith.constant 511 : i32
    %max3A_673 = vector.broadcast %jit3A_671 : i32 to vector<16xi32>
    %max3A_674 = arith.maxsi %max3A_673, %add3A_670 : vector<16xi32>
    %min3A_675 = vector.broadcast %jit3A_672 : i32 to vector<16xi32>
    %min3A_676 = arith.minsi %min3A_675, %max3A_674 : vector<16xi32>
    %mul3A_677 = arith.constant 512 : i32
    %mul3A_678 = vector.broadcast %mul3A_677 : i32 to vector<16xi32>
    %mul3A_679 = arith.muli %min3A_667, %mul3A_678 : vector<16xi32>
    %add3A_680 = arith.addi %add3A_631, %mul3A_679 : vector<16xi32>
    %add3A_681 = arith.addi %add3A_680, %min3A_676 : vector<16xi32>
    %swap3A_682 = arith.constant 96 : index
    %swap3A_683 = tpu.vector_load %arg10[%swap3A_682] {strides = array<i32>} : memref<576xi32, #tpu.memory_space<vmem>>, vector<16xi32>,
    %swap3A_684 = vector.shape_cast %swap3A_683 : vector<16xi32> to vector<16xi32>
    %swap3A_685 = vector.shape_cast %add3A_681 : vector<16xi32> to vector<16xi32>
    tpu.vector_store %arg10[%swap3A_682], %swap3A_685 {strides = array<i32>} : memref<576xi32, #tpu.memory_space<vmem>>, vector<16xi32>,
    %add3A_686 = arith.constant -1 : i32
    %add3A_687 = vector.broadcast %add3A_686 : i32 to vector<16xi32>
    %add3A_688 = arith.addi %get3A_591, %add3A_687 : vector<16xi32>
    %jit3A_689 = arith.constant 0 : i32
    %jit3A_690 = arith.constant 511 : i32
    %max3A_691 = vector.broadcast %jit3A_689 : i32 to vector<16xi32>
    %max3A_692 = arith.maxsi %max3A_691, %add3A_688 : vector<16xi32>
    %min3A_693 = vector.broadcast %jit3A_690 : i32 to vector<16xi32>
    %min3A_694 = arith.minsi %min3A_693, %max3A_692 : vector<16xi32>
    %add3A_695 = arith.constant 1 : i32
    %add3A_696 = vector.broadcast %add3A_695 : i32 to vector<16xi32>
    %add3A_697 = arith.addi %get3A_588, %add3A_696 : vector<16xi32>
    %jit3A_698 = arith.constant 0 : i32
    %jit3A_699 = arith.constant 511 : i32
    %max3A_700 = vector.broadcast %jit3A_698 : i32 to vector<16xi32>
    %max3A_701 = arith.maxsi %max3A_700, %add3A_697 : vector<16xi32>
    %min3A_702 = vector.broadcast %jit3A_699 : i32 to vector<16xi32>
    %min3A_703 = arith.minsi %min3A_702, %max3A_701 : vector<16xi32>
    %mul3A_704 = arith.constant 512 : i32
    %mul3A_705 = vector.broadcast %mul3A_704 : i32 to vector<16xi32>
    %mul3A_706 = arith.muli %min3A_694, %mul3A_705 : vector<16xi32>
    %add3A_707 = arith.addi %add3A_631, %mul3A_706 : vector<16xi32>
    %add3A_708 = arith.addi %add3A_707, %min3A_703 : vector<16xi32>
    %swap3A_709 = arith.constant 160 : index
    %swap3A_710 = tpu.vector_load %arg10[%swap3A_709] {strides = array<i32>} : memref<576xi32, #tpu.memory_space<vmem>>, vector<16xi32>,
    %swap3A_711 = vector.shape_cast %swap3A_710 : vector<16xi32> to vector<16xi32>
    %swap3A_712 = vector.shape_cast %add3A_708 : vector<16xi32> to vector<16xi32>
    tpu.vector_store %arg10[%swap3A_709], %swap3A_712 {strides = array<i32>} : memref<576xi32, #tpu.memory_space<vmem>>, vector<16xi32>,
    %add3A_713 = arith.constant 0 : i32
    %add3A_714 = vector.broadcast %add3A_713 : i32 to vector<16xi32>
    %add3A_715 = arith.addi %get3A_591, %add3A_714 : vector<16xi32>
    %jit3A_716 = arith.constant 0 : i32
    %jit3A_717 = arith.constant 511 : i32
    %max3A_718 = vector.broadcast %jit3A_716 : i32 to vector<16xi32>
    %max3A_719 = arith.maxsi %max3A_718, %add3A_715 : vector<16xi32>
    %min3A_720 = vector.broadcast %jit3A_717 : i32 to vector<16xi32>
    %min3A_721 = arith.minsi %min3A_720, %max3A_719 : vector<16xi32>
    %add3A_722 = arith.constant -1 : i32
    %add3A_723 = vector.broadcast %add3A_722 : i32 to vector<16xi32>
    %add3A_724 = arith.addi %get3A_588, %add3A_723 : vector<16xi32>
    %jit3A_725 = arith.constant 0 : i32
    %jit3A_726 = arith.constant 511 : i32
    %max3A_727 = vector.broadcast %jit3A_725 : i32 to vector<16xi32>
    %max3A_728 = arith.maxsi %max3A_727, %add3A_724 : vector<16xi32>
    %min3A_729 = vector.broadcast %jit3A_726 : i32 to vector<16xi32>
    %min3A_730 = arith.minsi %min3A_729, %max3A_728 : vector<16xi32>
    %mul3A_731 = arith.constant 512 : i32
    %mul3A_732 = vector.broadcast %mul3A_731 : i32 to vector<16xi32>
    %mul3A_733 = arith.muli %min3A_721, %mul3A_732 : vector<16xi32>
    %add3A_734 = arith.addi %add3A_631, %mul3A_733 : vector<16xi32>
    %add3A_735 = arith.addi %add3A_734, %min3A_730 : vector<16xi32>
    %swap3A_736 = arith.constant 224 : index
    %swap3A_737 = tpu.vector_load %arg10[%swap3A_736] {strides = array<i32>} : memref<576xi32, #tpu.memory_space<vmem>>, vector<16xi32>,
    %swap3A_738 = vector.shape_cast %swap3A_737 : vector<16xi32> to vector<16xi32>
    %swap3A_739 = vector.shape_cast %add3A_735 : vector<16xi32> to vector<16xi32>
    tpu.vector_store %arg10[%swap3A_736], %swap3A_739 {strides = array<i32>} : memref<576xi32, #tpu.memory_space<vmem>>, vector<16xi32>,
    %add3A_740 = arith.constant 0 : i32
    %add3A_741 = vector.broadcast %add3A_740 : i32 to vector<16xi32>
    %add3A_742 = arith.addi %get3A_591, %add3A_741 : vector<16xi32>
    %jit3A_743 = arith.constant 0 : i32
    %jit3A_744 = arith.constant 511 : i32
    %max3A_745 = vector.broadcast %jit3A_743 : i32 to vector<16xi32>
    %max3A_746 = arith.maxsi %max3A_745, %add3A_742 : vector<16xi32>
    %min3A_747 = vector.broadcast %jit3A_744 : i32 to vector<16xi32>
    %min3A_748 = arith.minsi %min3A_747, %max3A_746 : vector<16xi32>
    %add3A_749 = arith.constant 0 : i32
    %add3A_750 = vector.broadcast %add3A_749 : i32 to vector<16xi32>
    %add3A_751 = arith.addi %get3A_588, %add3A_750 : vector<16xi32>
    %jit3A_752 = arith.constant 0 : i32
    %jit3A_753 = arith.constant 511 : i32
    %max3A_754 = vector.broadcast %jit3A_752 : i32 to vector<16xi32>
    %max3A_755 = arith.maxsi %max3A_754, %add3A_751 : vector<16xi32>
    %min3A_756 = vector.broadcast %jit3A_753 : i32 to vector<16xi32>
    %min3A_757 = arith.minsi %min3A_756, %max3A_755 : vector<16xi32>
    %mul3A_758 = arith.constant 512 : i32
    %mul3A_759 = vector.broadcast %mul3A_758 : i32 to vector<16xi32>
    %mul3A_760 = arith.muli %min3A_748, %mul3A_759 : vector<16xi32>
    %add3A_761 = arith.addi %add3A_631, %mul3A_760 : vector<16xi32>
    %add3A_762 = arith.addi %add3A_761, %min3A_757 : vector<16xi32>
    %swap3A_763 = arith.constant 288 : index
    %swap3A_764 = tpu.vector_load %arg10[%swap3A_763] {strides = array<i32>} : memref<576xi32, #tpu.memory_space<vmem>>, vector<16xi32>,
    %swap3A_765 = vector.shape_cast %swap3A_764 : vector<16xi32> to vector<16xi32>
    %swap3A_766 = vector.shape_cast %add3A_762 : vector<16xi32> to vector<16xi32>
    tpu.vector_store %arg10[%swap3A_763], %swap3A_766 {strides = array<i32>} : memref<576xi32, #tpu.memory_space<vmem>>, vector<16xi32>,
    %add3A_767 = arith.constant 0 : i32
    %add3A_768 = vector.broadcast %add3A_767 : i32 to vector<16xi32>
    %add3A_769 = arith.addi %get3A_591, %add3A_768 : vector<16xi32>
    %jit3A_770 = arith.constant 0 : i32
    %jit3A_771 = arith.constant 511 : i32
    %max3A_772 = vector.broadcast %jit3A_770 : i32 to vector<16xi32>
    %max3A_773 = arith.maxsi %max3A_772, %add3A_769 : vector<16xi32>
    %min3A_774 = vector.broadcast %jit3A_771 : i32 to vector<16xi32>
    %min3A_775 = arith.minsi %min3A_774, %max3A_773 : vector<16xi32>
    %add3A_776 = arith.constant 1 : i32
    %add3A_777 = vector.broadcast %add3A_776 : i32 to vector<16xi32>
    %add3A_778 = arith.addi %get3A_588, %add3A_777 : vector<16xi32>
    %jit3A_779 = arith.constant 0 : i32
    %jit3A_780 = arith.constant 511 : i32
    %max3A_781 = vector.broadcast %jit3A_779 : i32 to vector<16xi32>
    %max3A_782 = arith.maxsi %max3A_781, %add3A_778 : vector<16xi32>
    %min3A_783 = vector.broadcast %jit3A_780 : i32 to vector<16xi32>
    %min3A_784 = arith.minsi %min3A_783, %max3A_782 : vector<16xi32>
    %mul3A_785 = arith.constant 512 : i32
    %mul3A_786 = vector.broadcast %mul3A_785 : i32 to vector<16xi32>
    %mul3A_787 = arith.muli %min3A_775, %mul3A_786 : vector<16xi32>
    %add3A_788 = arith.addi %add3A_631, %mul3A_787 : vector<16xi32>
    %add3A_789 = arith.addi %add3A_788, %min3A_784 : vector<16xi32>
    %swap3A_790 = arith.constant 352 : index
    %swap3A_791 = tpu.vector_load %arg10[%swap3A_790] {strides = array<i32>} : memref<576xi32, #tpu.memory_space<vmem>>, vector<16xi32>,
    %swap3A_792 = vector.shape_cast %swap3A_791 : vector<16xi32> to vector<16xi32>
    %swap3A_793 = vector.shape_cast %add3A_789 : vector<16xi32> to vector<16xi32>
    tpu.vector_store %arg10[%swap3A_790], %swap3A_793 {strides = array<i32>} : memref<576xi32, #tpu.memory_space<vmem>>, vector<16xi32>,
    %add3A_794 = arith.constant 1 : i32
    %add3A_795 = vector.broadcast %add3A_794 : i32 to vector<16xi32>
    %add3A_796 = arith.addi %get3A_591, %add3A_795 : vector<16xi32>
    %jit3A_797 = arith.constant 0 : i32
    %jit3A_798 = arith.constant 511 : i32
    %max3A_799 = vector.broadcast %jit3A_797 : i32 to vector<16xi32>
    %max3A_800 = arith.maxsi %max3A_799, %add3A_796 : vector<16xi32>
    %min3A_801 = vector.broadcast %jit3A_798 : i32 to vector<16xi32>
    %min3A_802 = arith.minsi %min3A_801, %max3A_800 : vector<16xi32>
    %add3A_803 = arith.constant -1 : i32
    %add3A_804 = vector.broadcast %add3A_803 : i32 to vector<16xi32>
    %add3A_805 = arith.addi %get3A_588, %add3A_804 : vector<16xi32>
    %jit3A_806 = arith.constant 0 : i32
    %jit3A_807 = arith.constant 511 : i32
    %max3A_808 = vector.broadcast %jit3A_806 : i32 to vector<16xi32>
    %max3A_809 = arith.maxsi %max3A_808, %add3A_805 : vector<16xi32>
    %min3A_810 = vector.broadcast %jit3A_807 : i32 to vector<16xi32>
    %min3A_811 = arith.minsi %min3A_810, %max3A_809 : vector<16xi32>
    %mul3A_812 = arith.constant 512 : i32
    %mul3A_813 = vector.broadcast %mul3A_812 : i32 to vector<16xi32>
    %mul3A_814 = arith.muli %min3A_802, %mul3A_813 : vector<16xi32>
    %add3A_815 = arith.addi %add3A_631, %mul3A_814 : vector<16xi32>
    %add3A_816 = arith.addi %add3A_815, %min3A_811 : vector<16xi32>
    %swap3A_817 = arith.constant 416 : index
    %swap3A_818 = tpu.vector_load %arg10[%swap3A_817] {strides = array<i32>} : memref<576xi32, #tpu.memory_space<vmem>>, vector<16xi32>,
    %swap3A_819 = vector.shape_cast %swap3A_818 : vector<16xi32> to vector<16xi32>
    %swap3A_820 = vector.shape_cast %add3A_816 : vector<16xi32> to vector<16xi32>
    tpu.vector_store %arg10[%swap3A_817], %swap3A_820 {strides = array<i32>} : memref<576xi32, #tpu.memory_space<vmem>>, vector<16xi32>,
    %add3A_821 = arith.constant 1 : i32
    %add3A_822 = vector.broadcast %add3A_821 : i32 to vector<16xi32>
    %add3A_823 = arith.addi %get3A_591, %add3A_822 : vector<16xi32>
    %jit3A_824 = arith.constant 0 : i32
    %jit3A_825 = arith.constant 511 : i32
    %max3A_826 = vector.broadcast %jit3A_824 : i32 to vector<16xi32>
    %max3A_827 = arith.maxsi %max3A_826, %add3A_823 : vector<16xi32>
    %min3A_828 = vector.broadcast %jit3A_825 : i32 to vector<16xi32>
    %min3A_829 = arith.minsi %min3A_828, %max3A_827 : vector<16xi32>
    %add3A_830 = arith.constant 0 : i32
    %add3A_831 = vector.broadcast %add3A_830 : i32 to vector<16xi32>
    %add3A_832 = arith.addi %get3A_588, %add3A_831 : vector<16xi32>
    %jit3A_833 = arith.constant 0 : i32
    %jit3A_834 = arith.constant 511 : i32
    %max3A_835 = vector.broadcast %jit3A_833 : i32 to vector<16xi32>
    %max3A_836 = arith.maxsi %max3A_835, %add3A_832 : vector<16xi32>
    %min3A_837 = vector.broadcast %jit3A_834 : i32 to vector<16xi32>
    %min3A_838 = arith.minsi %min3A_837, %max3A_836 : vector<16xi32>
    %mul3A_839 = arith.constant 512 : i32
    %mul3A_840 = vector.broadcast %mul3A_839 : i32 to vector<16xi32>
    %mul3A_841 = arith.muli %min3A_829, %mul3A_840 : vector<16xi32>
    %add3A_842 = arith.addi %add3A_631, %mul3A_841 : vector<16xi32>
    %add3A_843 = arith.addi %add3A_842, %min3A_838 : vector<16xi32>
    %swap3A_844 = arith.constant 480 : index
    %swap3A_845 = tpu.vector_load %arg10[%swap3A_844] {strides = array<i32>} : memref<576xi32, #tpu.memory_space<vmem>>, vector<16xi32>,
    %swap3A_846 = vector.shape_cast %swap3A_845 : vector<16xi32> to vector<16xi32>
    %swap3A_847 = vector.shape_cast %add3A_843 : vector<16xi32> to vector<16xi32>
    tpu.vector_store %arg10[%swap3A_844], %swap3A_847 {strides = array<i32>} : memref<576xi32, #tpu.memory_space<vmem>>, vector<16xi32>,
    %add3A_848 = arith.constant 1 : i32
    %add3A_849 = vector.broadcast %add3A_848 : i32 to vector<16xi32>
    %add3A_850 = arith.addi %get3A_591, %add3A_849 : vector<16xi32>
    %jit3A_851 = arith.constant 0 : i32
    %jit3A_852 = arith.constant 511 : i32
    %max3A_853 = vector.broadcast %jit3A_851 : i32 to vector<16xi32>
    %max3A_854 = arith.maxsi %max3A_853, %add3A_850 : vector<16xi32>
    %min3A_855 = vector.broadcast %jit3A_852 : i32 to vector<16xi32>
    %min3A_856 = arith.minsi %min3A_855, %max3A_854 : vector<16xi32>
    %add3A_857 = arith.constant 1 : i32
    %add3A_858 = vector.broadcast %add3A_857 : i32 to vector<16xi32>
    %add3A_859 = arith.addi %get3A_588, %add3A_858 : vector<16xi32>
    %jit3A_860 = arith.constant 0 : i32
    %jit3A_861 = arith.constant 511 : i32
    %max3A_862 = vector.broadcast %jit3A_860 : i32 to vector<16xi32>
    %max3A_863 = arith.maxsi %max3A_862, %add3A_859 : vector<16xi32>
    %min3A_864 = vector.broadcast %jit3A_861 : i32 to vector<16xi32>
    %min3A_865 = arith.minsi %min3A_864, %max3A_863 : vector<16xi32>
    %mul3A_866 = arith.constant 512 : i32
    %mul3A_867 = vector.broadcast %mul3A_866 : i32 to vector<16xi32>
    %mul3A_868 = arith.muli %min3A_856, %mul3A_867 : vector<16xi32>
    %add3A_869 = arith.addi %add3A_631, %mul3A_868 : vector<16xi32>
    %add3A_870 = arith.addi %add3A_869, %min3A_865 : vector<16xi32>
    %swap3A_871 = arith.constant 544 : index
    %swap3A_872 = tpu.vector_load %arg10[%swap3A_871] {strides = array<i32>} : memref<576xi32, #tpu.memory_space<vmem>>, vector<16xi32>,
    %swap3A_873 = vector.shape_cast %swap3A_872 : vector<16xi32> to vector<16xi32>
    %swap3A_874 = vector.shape_cast %add3A_870 : vector<16xi32> to vector<16xi32>
    tpu.vector_store %arg10[%swap3A_871], %swap3A_874 {strides = array<i32>} : memref<576xi32, #tpu.memory_space<vmem>>, vector<16xi32>,
    %get3A_875 = arith.constant 48 : index
    %get3A_876 = tpu.vector_load %arg7[%get3A_875] {strides = array<i32>} : memref<64xi32, #tpu.memory_space<vmem>>, vector<16xi32>,
    %get3A_877 = vector.shape_cast %get3A_876 : vector<16xi32> to vector<16xi32>
    %get3A_878 = arith.constant 48 : index
    %get3A_879 = tpu.vector_load %arg8[%get3A_878] {strides = array<i32>} : memref<64xi32, #tpu.memory_space<vmem>>, vector<16xi32>,
    %get3A_880 = vector.shape_cast %get3A_879 : vector<16xi32> to vector<16xi32>
    %add3A_881 = arith.constant 48 : i32
    %add3A_882 = arith.addi %mul3A_2, %add3A_881 : i32
    %iota3A_883 = tpu.iota {dimensions = array<i32: 0>} : vector<16xi32>
    %add3A_884 = vector.broadcast %add3A_882 : i32 to vector<16xi32>
    %add3A_885 = arith.addi %add3A_884, %iota3A_883 : vector<16xi32>
    %ge3A_886 = arith.constant 200 : i32
    %ge3A_887 = vector.broadcast %ge3A_886 : i32 to vector<16xi32>
    %ge3A_888 = arith.cmpi sge, %add3A_885, %ge3A_887 : vector<16xi32>
    %select_n3A_889 = arith.select %ge3A_888, %add3A_6, %broadcast_in_dim3A_8 : vector<16xi1>, vector<16xi32>
    %add3A_890 = arith.addi %broadcast_in_dim3A_8, %select_n3A_889 : vector<16xi32>
    %ge3A_891 = arith.constant 400 : i32
    %ge3A_892 = vector.broadcast %ge3A_891 : i32 to vector<16xi32>
    %ge3A_893 = arith.cmpi sge, %add3A_885, %ge3A_892 : vector<16xi32>
    %select_n3A_894 = arith.select %ge3A_893, %add3A_6, %broadcast_in_dim3A_8 : vector<16xi1>, vector<16xi32>
    %add3A_895 = arith.addi %add3A_890, %select_n3A_894 : vector<16xi32>
    %ge3A_896 = arith.constant 600 : i32
    %ge3A_897 = vector.broadcast %ge3A_896 : i32 to vector<16xi32>
    %ge3A_898 = arith.cmpi sge, %add3A_885, %ge3A_897 : vector<16xi32>
    %select_n3A_899 = arith.select %ge3A_898, %add3A_6, %broadcast_in_dim3A_8 : vector<16xi1>, vector<16xi32>
    %add3A_900 = arith.addi %add3A_895, %select_n3A_899 : vector<16xi32>
    %ge3A_901 = arith.constant 800 : i32
    %ge3A_902 = vector.broadcast %ge3A_901 : i32 to vector<16xi32>
    %ge3A_903 = arith.cmpi sge, %add3A_885, %ge3A_902 : vector<16xi32>
    %select_n3A_904 = arith.select %ge3A_903, %add3A_6, %broadcast_in_dim3A_8 : vector<16xi1>, vector<16xi32>
    %add3A_905 = arith.addi %add3A_900, %select_n3A_904 : vector<16xi32>
    %ge3A_906 = arith.constant 1000 : i32
    %ge3A_907 = vector.broadcast %ge3A_906 : i32 to vector<16xi32>
    %ge3A_908 = arith.cmpi sge, %add3A_885, %ge3A_907 : vector<16xi32>
    %select_n3A_909 = arith.select %ge3A_908, %add3A_6, %broadcast_in_dim3A_8 : vector<16xi1>, vector<16xi32>
    %add3A_910 = arith.addi %add3A_905, %select_n3A_909 : vector<16xi32>
    %ge3A_911 = arith.constant 1200 : i32
    %ge3A_912 = vector.broadcast %ge3A_911 : i32 to vector<16xi32>
    %ge3A_913 = arith.cmpi sge, %add3A_885, %ge3A_912 : vector<16xi32>
    %select_n3A_914 = arith.select %ge3A_913, %add3A_6, %broadcast_in_dim3A_8 : vector<16xi1>, vector<16xi32>
    %add3A_915 = arith.addi %add3A_910, %select_n3A_914 : vector<16xi32>
    %ge3A_916 = arith.constant 1400 : i32
    %ge3A_917 = vector.broadcast %ge3A_916 : i32 to vector<16xi32>
    %ge3A_918 = arith.cmpi sge, %add3A_885, %ge3A_917 : vector<16xi32>
    %select_n3A_919 = arith.select %ge3A_918, %add3A_6, %broadcast_in_dim3A_8 : vector<16xi1>, vector<16xi32>
    %add3A_920 = arith.addi %add3A_915, %select_n3A_919 : vector<16xi32>
    %add3A_921 = arith.constant -1 : i32
    %add3A_922 = vector.broadcast %add3A_921 : i32 to vector<16xi32>
    %add3A_923 = arith.addi %get3A_880, %add3A_922 : vector<16xi32>
    %jit3A_924 = arith.constant 0 : i32
    %jit3A_925 = arith.constant 511 : i32
    %max3A_926 = vector.broadcast %jit3A_924 : i32 to vector<16xi32>
    %max3A_927 = arith.maxsi %max3A_926, %add3A_923 : vector<16xi32>
    %min3A_928 = vector.broadcast %jit3A_925 : i32 to vector<16xi32>
    %min3A_929 = arith.minsi %min3A_928, %max3A_927 : vector<16xi32>
    %add3A_930 = arith.constant -1 : i32
    %add3A_931 = vector.broadcast %add3A_930 : i32 to vector<16xi32>
    %add3A_932 = arith.addi %get3A_877, %add3A_931 : vector<16xi32>
    %jit3A_933 = arith.constant 0 : i32
    %jit3A_934 = arith.constant 511 : i32
    %max3A_935 = vector.broadcast %jit3A_933 : i32 to vector<16xi32>
    %max3A_936 = arith.maxsi %max3A_935, %add3A_932 : vector<16xi32>
    %min3A_937 = vector.broadcast %jit3A_934 : i32 to vector<16xi32>
    %min3A_938 = arith.minsi %min3A_937, %max3A_936 : vector<16xi32>
    %mul3A_939 = arith.constant 512 : i32
    %mul3A_940 = vector.broadcast %mul3A_939 : i32 to vector<16xi32>
    %mul3A_941 = arith.muli %min3A_929, %mul3A_940 : vector<16xi32>
    %add3A_942 = arith.addi %add3A_920, %mul3A_941 : vector<16xi32>
    %add3A_943 = arith.addi %add3A_942, %min3A_938 : vector<16xi32>
    %swap3A_944 = arith.constant 48 : index
    %swap3A_945 = tpu.vector_load %arg10[%swap3A_944] {strides = array<i32>} : memref<576xi32, #tpu.memory_space<vmem>>, vector<16xi32>,
    %swap3A_946 = vector.shape_cast %swap3A_945 : vector<16xi32> to vector<16xi32>
    %swap3A_947 = vector.shape_cast %add3A_943 : vector<16xi32> to vector<16xi32>
    tpu.vector_store %arg10[%swap3A_944], %swap3A_947 {strides = array<i32>} : memref<576xi32, #tpu.memory_space<vmem>>, vector<16xi32>,
    %add3A_948 = arith.constant -1 : i32
    %add3A_949 = vector.broadcast %add3A_948 : i32 to vector<16xi32>
    %add3A_950 = arith.addi %get3A_880, %add3A_949 : vector<16xi32>
    %jit3A_951 = arith.constant 0 : i32
    %jit3A_952 = arith.constant 511 : i32
    %max3A_953 = vector.broadcast %jit3A_951 : i32 to vector<16xi32>
    %max3A_954 = arith.maxsi %max3A_953, %add3A_950 : vector<16xi32>
    %min3A_955 = vector.broadcast %jit3A_952 : i32 to vector<16xi32>
    %min3A_956 = arith.minsi %min3A_955, %max3A_954 : vector<16xi32>
    %add3A_957 = arith.constant 0 : i32
    %add3A_958 = vector.broadcast %add3A_957 : i32 to vector<16xi32>
    %add3A_959 = arith.addi %get3A_877, %add3A_958 : vector<16xi32>
    %jit3A_960 = arith.constant 0 : i32
    %jit3A_961 = arith.constant 511 : i32
    %max3A_962 = vector.broadcast %jit3A_960 : i32 to vector<16xi32>
    %max3A_963 = arith.maxsi %max3A_962, %add3A_959 : vector<16xi32>
    %min3A_964 = vector.broadcast %jit3A_961 : i32 to vector<16xi32>
    %min3A_965 = arith.minsi %min3A_964, %max3A_963 : vector<16xi32>
    %mul3A_966 = arith.constant 512 : i32
    %mul3A_967 = vector.broadcast %mul3A_966 : i32 to vector<16xi32>
    %mul3A_968 = arith.muli %min3A_956, %mul3A_967 : vector<16xi32>
    %add3A_969 = arith.addi %add3A_920, %mul3A_968 : vector<16xi32>
    %add3A_970 = arith.addi %add3A_969, %min3A_965 : vector<16xi32>
    %swap3A_971 = arith.constant 112 : index
    %swap3A_972 = tpu.vector_load %arg10[%swap3A_971] {strides = array<i32>} : memref<576xi32, #tpu.memory_space<vmem>>, vector<16xi32>,
    %swap3A_973 = vector.shape_cast %swap3A_972 : vector<16xi32> to vector<16xi32>
    %swap3A_974 = vector.shape_cast %add3A_970 : vector<16xi32> to vector<16xi32>
    tpu.vector_store %arg10[%swap3A_971], %swap3A_974 {strides = array<i32>} : memref<576xi32, #tpu.memory_space<vmem>>, vector<16xi32>,
    %add3A_975 = arith.constant -1 : i32
    %add3A_976 = vector.broadcast %add3A_975 : i32 to vector<16xi32>
    %add3A_977 = arith.addi %get3A_880, %add3A_976 : vector<16xi32>
    %jit3A_978 = arith.constant 0 : i32
    %jit3A_979 = arith.constant 511 : i32
    %max3A_980 = vector.broadcast %jit3A_978 : i32 to vector<16xi32>
    %max3A_981 = arith.maxsi %max3A_980, %add3A_977 : vector<16xi32>
    %min3A_982 = vector.broadcast %jit3A_979 : i32 to vector<16xi32>
    %min3A_983 = arith.minsi %min3A_982, %max3A_981 : vector<16xi32>
    %add3A_984 = arith.constant 1 : i32
    %add3A_985 = vector.broadcast %add3A_984 : i32 to vector<16xi32>
    %add3A_986 = arith.addi %get3A_877, %add3A_985 : vector<16xi32>
    %jit3A_987 = arith.constant 0 : i32
    %jit3A_988 = arith.constant 511 : i32
    %max3A_989 = vector.broadcast %jit3A_987 : i32 to vector<16xi32>
    %max3A_990 = arith.maxsi %max3A_989, %add3A_986 : vector<16xi32>
    %min3A_991 = vector.broadcast %jit3A_988 : i32 to vector<16xi32>
    %min3A_992 = arith.minsi %min3A_991, %max3A_990 : vector<16xi32>
    %mul3A_993 = arith.constant 512 : i32
    %mul3A_994 = vector.broadcast %mul3A_993 : i32 to vector<16xi32>
    %mul3A_995 = arith.muli %min3A_983, %mul3A_994 : vector<16xi32>
    %add3A_996 = arith.addi %add3A_920, %mul3A_995 : vector<16xi32>
    %add3A_997 = arith.addi %add3A_996, %min3A_992 : vector<16xi32>
    %swap3A_998 = arith.constant 176 : index
    %swap3A_999 = tpu.vector_load %arg10[%swap3A_998] {strides = array<i32>} : memref<576xi32, #tpu.memory_space<vmem>>, vector<16xi32>,
    %swap3A_1000 = vector.shape_cast %swap3A_999 : vector<16xi32> to vector<16xi32>
    %swap3A_1001 = vector.shape_cast %add3A_997 : vector<16xi32> to vector<16xi32>
    tpu.vector_store %arg10[%swap3A_998], %swap3A_1001 {strides = array<i32>} : memref<576xi32, #tpu.memory_space<vmem>>, vector<16xi32>,
    %add3A_1002 = arith.constant 0 : i32
    %add3A_1003 = vector.broadcast %add3A_1002 : i32 to vector<16xi32>
    %add3A_1004 = arith.addi %get3A_880, %add3A_1003 : vector<16xi32>
    %jit3A_1005 = arith.constant 0 : i32
    %jit3A_1006 = arith.constant 511 : i32
    %max3A_1007 = vector.broadcast %jit3A_1005 : i32 to vector<16xi32>
    %max3A_1008 = arith.maxsi %max3A_1007, %add3A_1004 : vector<16xi32>
    %min3A_1009 = vector.broadcast %jit3A_1006 : i32 to vector<16xi32>
    %min3A_1010 = arith.minsi %min3A_1009, %max3A_1008 : vector<16xi32>
    %add3A_1011 = arith.constant -1 : i32
    %add3A_1012 = vector.broadcast %add3A_1011 : i32 to vector<16xi32>
    %add3A_1013 = arith.addi %get3A_877, %add3A_1012 : vector<16xi32>
    %jit3A_1014 = arith.constant 0 : i32
    %jit3A_1015 = arith.constant 511 : i32
    %max3A_1016 = vector.broadcast %jit3A_1014 : i32 to vector<16xi32>
    %max3A_1017 = arith.maxsi %max3A_1016, %add3A_1013 : vector<16xi32>
    %min3A_1018 = vector.broadcast %jit3A_1015 : i32 to vector<16xi32>
    %min3A_1019 = arith.minsi %min3A_1018, %max3A_1017 : vector<16xi32>
    %mul3A_1020 = arith.constant 512 : i32
    %mul3A_1021 = vector.broadcast %mul3A_1020 : i32 to vector<16xi32>
    %mul3A_1022 = arith.muli %min3A_1010, %mul3A_1021 : vector<16xi32>
    %add3A_1023 = arith.addi %add3A_920, %mul3A_1022 : vector<16xi32>
    %add3A_1024 = arith.addi %add3A_1023, %min3A_1019 : vector<16xi32>
    %swap3A_1025 = arith.constant 240 : index
    %swap3A_1026 = tpu.vector_load %arg10[%swap3A_1025] {strides = array<i32>} : memref<576xi32, #tpu.memory_space<vmem>>, vector<16xi32>,
    %swap3A_1027 = vector.shape_cast %swap3A_1026 : vector<16xi32> to vector<16xi32>
    %swap3A_1028 = vector.shape_cast %add3A_1024 : vector<16xi32> to vector<16xi32>
    tpu.vector_store %arg10[%swap3A_1025], %swap3A_1028 {strides = array<i32>} : memref<576xi32, #tpu.memory_space<vmem>>, vector<16xi32>,
    %add3A_1029 = arith.constant 0 : i32
    %add3A_1030 = vector.broadcast %add3A_1029 : i32 to vector<16xi32>
    %add3A_1031 = arith.addi %get3A_880, %add3A_1030 : vector<16xi32>
    %jit3A_1032 = arith.constant 0 : i32
    %jit3A_1033 = arith.constant 511 : i32
    %max3A_1034 = vector.broadcast %jit3A_1032 : i32 to vector<16xi32>
    %max3A_1035 = arith.maxsi %max3A_1034, %add3A_1031 : vector<16xi32>
    %min3A_1036 = vector.broadcast %jit3A_1033 : i32 to vector<16xi32>
    %min3A_1037 = arith.minsi %min3A_1036, %max3A_1035 : vector<16xi32>
    %add3A_1038 = arith.constant 0 : i32
    %add3A_1039 = vector.broadcast %add3A_1038 : i32 to vector<16xi32>
    %add3A_1040 = arith.addi %get3A_877, %add3A_1039 : vector<16xi32>
    %jit3A_1041 = arith.constant 0 : i32
    %jit3A_1042 = arith.constant 511 : i32
    %max3A_1043 = vector.broadcast %jit3A_1041 : i32 to vector<16xi32>
    %max3A_1044 = arith.maxsi %max3A_1043, %add3A_1040 : vector<16xi32>
    %min3A_1045 = vector.broadcast %jit3A_1042 : i32 to vector<16xi32>
    %min3A_1046 = arith.minsi %min3A_1045, %max3A_1044 : vector<16xi32>
    %mul3A_1047 = arith.constant 512 : i32
    %mul3A_1048 = vector.broadcast %mul3A_1047 : i32 to vector<16xi32>
    %mul3A_1049 = arith.muli %min3A_1037, %mul3A_1048 : vector<16xi32>
    %add3A_1050 = arith.addi %add3A_920, %mul3A_1049 : vector<16xi32>
    %add3A_1051 = arith.addi %add3A_1050, %min3A_1046 : vector<16xi32>
    %swap3A_1052 = arith.constant 304 : index
    %swap3A_1053 = tpu.vector_load %arg10[%swap3A_1052] {strides = array<i32>} : memref<576xi32, #tpu.memory_space<vmem>>, vector<16xi32>,
    %swap3A_1054 = vector.shape_cast %swap3A_1053 : vector<16xi32> to vector<16xi32>
    %swap3A_1055 = vector.shape_cast %add3A_1051 : vector<16xi32> to vector<16xi32>
    tpu.vector_store %arg10[%swap3A_1052], %swap3A_1055 {strides = array<i32>} : memref<576xi32, #tpu.memory_space<vmem>>, vector<16xi32>,
    %add3A_1056 = arith.constant 0 : i32
    %add3A_1057 = vector.broadcast %add3A_1056 : i32 to vector<16xi32>
    %add3A_1058 = arith.addi %get3A_880, %add3A_1057 : vector<16xi32>
    %jit3A_1059 = arith.constant 0 : i32
    %jit3A_1060 = arith.constant 511 : i32
    %max3A_1061 = vector.broadcast %jit3A_1059 : i32 to vector<16xi32>
    %max3A_1062 = arith.maxsi %max3A_1061, %add3A_1058 : vector<16xi32>
    %min3A_1063 = vector.broadcast %jit3A_1060 : i32 to vector<16xi32>
    %min3A_1064 = arith.minsi %min3A_1063, %max3A_1062 : vector<16xi32>
    %add3A_1065 = arith.constant 1 : i32
    %add3A_1066 = vector.broadcast %add3A_1065 : i32 to vector<16xi32>
    %add3A_1067 = arith.addi %get3A_877, %add3A_1066 : vector<16xi32>
    %jit3A_1068 = arith.constant 0 : i32
    %jit3A_1069 = arith.constant 511 : i32
    %max3A_1070 = vector.broadcast %jit3A_1068 : i32 to vector<16xi32>
    %max3A_1071 = arith.maxsi %max3A_1070, %add3A_1067 : vector<16xi32>
    %min3A_1072 = vector.broadcast %jit3A_1069 : i32 to vector<16xi32>
    %min3A_1073 = arith.minsi %min3A_1072, %max3A_1071 : vector<16xi32>
    %mul3A_1074 = arith.constant 512 : i32
    %mul3A_1075 = vector.broadcast %mul3A_1074 : i32 to vector<16xi32>
    %mul3A_1076 = arith.muli %min3A_1064, %mul3A_1075 : vector<16xi32>
    %add3A_1077 = arith.addi %add3A_920, %mul3A_1076 : vector<16xi32>
    %add3A_1078 = arith.addi %add3A_1077, %min3A_1073 : vector<16xi32>
    %swap3A_1079 = arith.constant 368 : index
    %swap3A_1080 = tpu.vector_load %arg10[%swap3A_1079] {strides = array<i32>} : memref<576xi32, #tpu.memory_space<vmem>>, vector<16xi32>,
    %swap3A_1081 = vector.shape_cast %swap3A_1080 : vector<16xi32> to vector<16xi32>
    %swap3A_1082 = vector.shape_cast %add3A_1078 : vector<16xi32> to vector<16xi32>
    tpu.vector_store %arg10[%swap3A_1079], %swap3A_1082 {strides = array<i32>} : memref<576xi32, #tpu.memory_space<vmem>>, vector<16xi32>,
    %add3A_1083 = arith.constant 1 : i32
    %add3A_1084 = vector.broadcast %add3A_1083 : i32 to vector<16xi32>
    %add3A_1085 = arith.addi %get3A_880, %add3A_1084 : vector<16xi32>
    %jit3A_1086 = arith.constant 0 : i32
    %jit3A_1087 = arith.constant 511 : i32
    %max3A_1088 = vector.broadcast %jit3A_1086 : i32 to vector<16xi32>
    %max3A_1089 = arith.maxsi %max3A_1088, %add3A_1085 : vector<16xi32>
    %min3A_1090 = vector.broadcast %jit3A_1087 : i32 to vector<16xi32>
    %min3A_1091 = arith.minsi %min3A_1090, %max3A_1089 : vector<16xi32>
    %add3A_1092 = arith.constant -1 : i32
    %add3A_1093 = vector.broadcast %add3A_1092 : i32 to vector<16xi32>
    %add3A_1094 = arith.addi %get3A_877, %add3A_1093 : vector<16xi32>
    %jit3A_1095 = arith.constant 0 : i32
    %jit3A_1096 = arith.constant 511 : i32
    %max3A_1097 = vector.broadcast %jit3A_1095 : i32 to vector<16xi32>
    %max3A_1098 = arith.maxsi %max3A_1097, %add3A_1094 : vector<16xi32>
    %min3A_1099 = vector.broadcast %jit3A_1096 : i32 to vector<16xi32>
    %min3A_1100 = arith.minsi %min3A_1099, %max3A_1098 : vector<16xi32>
    %mul3A_1101 = arith.constant 512 : i32
    %mul3A_1102 = vector.broadcast %mul3A_1101 : i32 to vector<16xi32>
    %mul3A_1103 = arith.muli %min3A_1091, %mul3A_1102 : vector<16xi32>
    %add3A_1104 = arith.addi %add3A_920, %mul3A_1103 : vector<16xi32>
    %add3A_1105 = arith.addi %add3A_1104, %min3A_1100 : vector<16xi32>
    %swap3A_1106 = arith.constant 432 : index
    %swap3A_1107 = tpu.vector_load %arg10[%swap3A_1106] {strides = array<i32>} : memref<576xi32, #tpu.memory_space<vmem>>, vector<16xi32>,
    %swap3A_1108 = vector.shape_cast %swap3A_1107 : vector<16xi32> to vector<16xi32>
    %swap3A_1109 = vector.shape_cast %add3A_1105 : vector<16xi32> to vector<16xi32>
    tpu.vector_store %arg10[%swap3A_1106], %swap3A_1109 {strides = array<i32>} : memref<576xi32, #tpu.memory_space<vmem>>, vector<16xi32>,
    %add3A_1110 = arith.constant 1 : i32
    %add3A_1111 = vector.broadcast %add3A_1110 : i32 to vector<16xi32>
    %add3A_1112 = arith.addi %get3A_880, %add3A_1111 : vector<16xi32>
    %jit3A_1113 = arith.constant 0 : i32
    %jit3A_1114 = arith.constant 511 : i32
    %max3A_1115 = vector.broadcast %jit3A_1113 : i32 to vector<16xi32>
    %max3A_1116 = arith.maxsi %max3A_1115, %add3A_1112 : vector<16xi32>
    %min3A_1117 = vector.broadcast %jit3A_1114 : i32 to vector<16xi32>
    %min3A_1118 = arith.minsi %min3A_1117, %max3A_1116 : vector<16xi32>
    %add3A_1119 = arith.constant 0 : i32
    %add3A_1120 = vector.broadcast %add3A_1119 : i32 to vector<16xi32>
    %add3A_1121 = arith.addi %get3A_877, %add3A_1120 : vector<16xi32>
    %jit3A_1122 = arith.constant 0 : i32
    %jit3A_1123 = arith.constant 511 : i32
    %max3A_1124 = vector.broadcast %jit3A_1122 : i32 to vector<16xi32>
    %max3A_1125 = arith.maxsi %max3A_1124, %add3A_1121 : vector<16xi32>
    %min3A_1126 = vector.broadcast %jit3A_1123 : i32 to vector<16xi32>
    %min3A_1127 = arith.minsi %min3A_1126, %max3A_1125 : vector<16xi32>
    %mul3A_1128 = arith.constant 512 : i32
    %mul3A_1129 = vector.broadcast %mul3A_1128 : i32 to vector<16xi32>
    %mul3A_1130 = arith.muli %min3A_1118, %mul3A_1129 : vector<16xi32>
    %add3A_1131 = arith.addi %add3A_920, %mul3A_1130 : vector<16xi32>
    %add3A_1132 = arith.addi %add3A_1131, %min3A_1127 : vector<16xi32>
    %swap3A_1133 = arith.constant 496 : index
    %swap3A_1134 = tpu.vector_load %arg10[%swap3A_1133] {strides = array<i32>} : memref<576xi32, #tpu.memory_space<vmem>>, vector<16xi32>,
    %swap3A_1135 = vector.shape_cast %swap3A_1134 : vector<16xi32> to vector<16xi32>
    %swap3A_1136 = vector.shape_cast %add3A_1132 : vector<16xi32> to vector<16xi32>
    tpu.vector_store %arg10[%swap3A_1133], %swap3A_1136 {strides = array<i32>} : memref<576xi32, #tpu.memory_space<vmem>>, vector<16xi32>,
    %add3A_1137 = arith.constant 1 : i32
    %add3A_1138 = vector.broadcast %add3A_1137 : i32 to vector<16xi32>
    %add3A_1139 = arith.addi %get3A_880, %add3A_1138 : vector<16xi32>
    %jit3A_1140 = arith.constant 0 : i32
    %jit3A_1141 = arith.constant 511 : i32
    %max3A_1142 = vector.broadcast %jit3A_1140 : i32 to vector<16xi32>
    %max3A_1143 = arith.maxsi %max3A_1142, %add3A_1139 : vector<16xi32>
    %min3A_1144 = vector.broadcast %jit3A_1141 : i32 to vector<16xi32>
    %min3A_1145 = arith.minsi %min3A_1144, %max3A_1143 : vector<16xi32>
    %add3A_1146 = arith.constant 1 : i32
    %add3A_1147 = vector.broadcast %add3A_1146 : i32 to vector<16xi32>
    %add3A_1148 = arith.addi %get3A_877, %add3A_1147 : vector<16xi32>
    %jit3A_1149 = arith.constant 0 : i32
    %jit3A_1150 = arith.constant 511 : i32
    %max3A_1151 = vector.broadcast %jit3A_1149 : i32 to vector<16xi32>
    %max3A_1152 = arith.maxsi %max3A_1151, %add3A_1148 : vector<16xi32>
    %min3A_1153 = vector.broadcast %jit3A_1150 : i32 to vector<16xi32>
    %min3A_1154 = arith.minsi %min3A_1153, %max3A_1152 : vector<16xi32>
    %mul3A_1155 = arith.constant 512 : i32
    %mul3A_1156 = vector.broadcast %mul3A_1155 : i32 to vector<16xi32>
    %mul3A_1157 = arith.muli %min3A_1145, %mul3A_1156 : vector<16xi32>
    %add3A_1158 = arith.addi %add3A_920, %mul3A_1157 : vector<16xi32>
    %add3A_1159 = arith.addi %add3A_1158, %min3A_1154 : vector<16xi32>
    %swap3A_1160 = arith.constant 560 : index
    %swap3A_1161 = tpu.vector_load %arg10[%swap3A_1160] {strides = array<i32>} : memref<576xi32, #tpu.memory_space<vmem>>, vector<16xi32>,
    %swap3A_1162 = vector.shape_cast %swap3A_1161 : vector<16xi32> to vector<16xi32>
    %swap3A_1163 = vector.shape_cast %add3A_1159 : vector<16xi32> to vector<16xi32>
    tpu.vector_store %arg10[%swap3A_1160], %swap3A_1163 {strides = array<i32>} : memref<576xi32, #tpu.memory_space<vmem>>, vector<16xi32>,
    %dma_start3A = arith.constant 0 : i32
    %dma_start3A_1164 = tpu.memref_slice %arg2[%dma_start3A] : memref<2097152xf32, #tpu.memory_space<hbm>> -> memref<2097152xf32, #tpu.memory_space<hbm>>
    tpu.enqueue_indirect_dma source(%dma_start3A_1164 : memref<2097152xf32, #tpu.memory_space<hbm>>) target(%arg11 : memref<576xf32, #tpu.memory_space<vmem>>) offsets(%arg10 : memref<576xi32, #tpu.memory_space<vmem>>) semaphore(%arg13 : memref<!tpu.dma_semaphore, #tpu.memory_space<semaphore_mem>>)
    %dma_wait3A = arith.constant 0 : i32
    %dma_wait3A_1165 = tpu.memref_slice %arg2[%dma_wait3A] : memref<2097152xf32, #tpu.memory_space<hbm>> -> memref<2097152xf32, #tpu.memory_space<hbm>>
    tpu.wait_indirect_dma semaphore(%arg13 : memref<!tpu.dma_semaphore, #tpu.memory_space<semaphore_mem>>) src(%dma_wait3A_1165 : memref<2097152xf32, #tpu.memory_space<hbm>>) dst(%arg11 : memref<576xf32, #tpu.memory_space<vmem>>)
    %get3A_1166 = arith.constant 0 : index
    %get3A_1167 = tpu.vector_load %arg7[%get3A_1166] {strides = array<i32>} : memref<64xi32, #tpu.memory_space<vmem>>, vector<16xi32>,
    %get3A_1168 = vector.shape_cast %get3A_1167 : vector<16xi32> to vector<16xi32>
    %get3A_1169 = arith.constant 0 : index
    %get3A_1170 = tpu.vector_load %arg8[%get3A_1169] {strides = array<i32>} : memref<64xi32, #tpu.memory_space<vmem>>, vector<16xi32>,
    %get3A_1171 = vector.shape_cast %get3A_1170 : vector<16xi32> to vector<16xi32>
    %get3A_1172 = arith.constant 0 : index
    %get3A_1173 = tpu.vector_load %arg9[%get3A_1172] {strides = array<i32>} : memref<64xf32, #tpu.memory_space<vmem>>, vector<16xf32>,
    %get3A_1174 = vector.shape_cast %get3A_1173 : vector<16xf32> to vector<16xf32>
    %add3A_1175 = arith.constant 0 : i32
    %add3A_1176 = arith.addi %mul3A_2, %add3A_1175 : i32
    %iota3A_1177 = tpu.iota {dimensions = array<i32: 0>} : vector<16xi32>
    %add3A_1178 = vector.broadcast %add3A_1176 : i32 to vector<16xi32>
    %add3A_1179 = arith.addi %add3A_1178, %iota3A_1177 : vector<16xi32>
    %lt3A = arith.constant 1600 : i32
    %lt3A_1180 = vector.broadcast %lt3A : i32 to vector<16xi32>
    %lt3A_1181 = arith.cmpi slt, %add3A_1179, %lt3A_1180 : vector<16xi32>
    %select_n3A_1182 = arith.select %lt3A_1181, %add3A_13, %broadcast_in_dim3A_15 : vector<16xi1>, vector<16xf32>
    %add3A_1183 = arith.constant -1 : i32
    %add3A_1184 = vector.broadcast %add3A_1183 : i32 to vector<16xi32>
    %add3A_1185 = arith.addi %get3A_1171, %add3A_1184 : vector<16xi32>
    %add3A_1186 = arith.constant -1 : i32
    %add3A_1187 = vector.broadcast %add3A_1186 : i32 to vector<16xi32>
    %add3A_1188 = arith.addi %get3A_1168, %add3A_1187 : vector<16xi32>
    %ge3A_1189 = arith.constant 0 : i32
    %ge3A_1190 = vector.broadcast %ge3A_1189 : i32 to vector<16xi32>
    %ge3A_1191 = arith.cmpi sge, %add3A_1185, %ge3A_1190 : vector<16xi32>
    %lt3A_1192 = arith.constant 512 : i32
    %lt3A_1193 = vector.broadcast %lt3A_1192 : i32 to vector<16xi32>
    %lt3A_1194 = arith.cmpi slt, %add3A_1185, %lt3A_1193 : vector<16xi32>
    %and3A = arith.andi %ge3A_1191, %lt3A_1194 : vector<16xi1>
    %ge3A_1195 = arith.constant 0 : i32
    %ge3A_1196 = vector.broadcast %ge3A_1195 : i32 to vector<16xi32>
    %ge3A_1197 = arith.cmpi sge, %add3A_1188, %ge3A_1196 : vector<16xi32>
    %and3A_1198 = arith.andi %and3A, %ge3A_1197 : vector<16xi1>
    %lt3A_1199 = arith.constant 512 : i32
    %lt3A_1200 = vector.broadcast %lt3A_1199 : i32 to vector<16xi32>
    %lt3A_1201 = arith.cmpi slt, %add3A_1188, %lt3A_1200 : vector<16xi32>
    %and3A_1202 = arith.andi %and3A_1198, %lt3A_1201 : vector<16xi1>
    %select_n3A_1203 = arith.select %and3A_1202, %add3A_13, %broadcast_in_dim3A_15 : vector<16xi1>, vector<16xf32>
    %get3A_1204 = arith.constant 0 : index
    %get3A_1205 = tpu.vector_load %arg11[%get3A_1204] {strides = array<i32>} : memref<576xf32, #tpu.memory_space<vmem>>, vector<16xf32>,
    %get3A_1206 = vector.shape_cast %get3A_1205 : vector<16xf32> to vector<16xf32>
    %mul3A_1207 = arith.mulf %get3A_1206, %select_n3A_1203 : vector<16xf32>
    %add3A_1208 = arith.addf %broadcast_in_dim3A_15, %mul3A_1207 : vector<16xf32>
    %add3A_1209 = arith.addf %broadcast_in_dim3A_15, %select_n3A_1203 : vector<16xf32>
    %add3A_1210 = arith.constant -1 : i32
    %add3A_1211 = vector.broadcast %add3A_1210 : i32 to vector<16xi32>
    %add3A_1212 = arith.addi %get3A_1171, %add3A_1211 : vector<16xi32>
    %add3A_1213 = arith.constant 0 : i32
    %add3A_1214 = vector.broadcast %add3A_1213 : i32 to vector<16xi32>
    %add3A_1215 = arith.addi %get3A_1168, %add3A_1214 : vector<16xi32>
    %ge3A_1216 = arith.constant 0 : i32
    %ge3A_1217 = vector.broadcast %ge3A_1216 : i32 to vector<16xi32>
    %ge3A_1218 = arith.cmpi sge, %add3A_1212, %ge3A_1217 : vector<16xi32>
    %lt3A_1219 = arith.constant 512 : i32
    %lt3A_1220 = vector.broadcast %lt3A_1219 : i32 to vector<16xi32>
    %lt3A_1221 = arith.cmpi slt, %add3A_1212, %lt3A_1220 : vector<16xi32>
    %and3A_1222 = arith.andi %ge3A_1218, %lt3A_1221 : vector<16xi1>
    %ge3A_1223 = arith.constant 0 : i32
    %ge3A_1224 = vector.broadcast %ge3A_1223 : i32 to vector<16xi32>
    %ge3A_1225 = arith.cmpi sge, %add3A_1215, %ge3A_1224 : vector<16xi32>
    %and3A_1226 = arith.andi %and3A_1222, %ge3A_1225 : vector<16xi1>
    %lt3A_1227 = arith.constant 512 : i32
    %lt3A_1228 = vector.broadcast %lt3A_1227 : i32 to vector<16xi32>
    %lt3A_1229 = arith.cmpi slt, %add3A_1215, %lt3A_1228 : vector<16xi32>
    %and3A_1230 = arith.andi %and3A_1226, %lt3A_1229 : vector<16xi1>
    %select_n3A_1231 = arith.select %and3A_1230, %add3A_13, %broadcast_in_dim3A_15 : vector<16xi1>, vector<16xf32>
    %get3A_1232 = arith.constant 64 : index
    %get3A_1233 = tpu.vector_load %arg11[%get3A_1232] {strides = array<i32>} : memref<576xf32, #tpu.memory_space<vmem>>, vector<16xf32>,
    %get3A_1234 = vector.shape_cast %get3A_1233 : vector<16xf32> to vector<16xf32>
    %mul3A_1235 = arith.mulf %get3A_1234, %select_n3A_1231 : vector<16xf32>
    %add3A_1236 = arith.addf %add3A_1208, %mul3A_1235 : vector<16xf32>
    %add3A_1237 = arith.addf %add3A_1209, %select_n3A_1231 : vector<16xf32>
    %add3A_1238 = arith.constant -1 : i32
    %add3A_1239 = vector.broadcast %add3A_1238 : i32 to vector<16xi32>
    %add3A_1240 = arith.addi %get3A_1171, %add3A_1239 : vector<16xi32>
    %add3A_1241 = arith.constant 1 : i32
    %add3A_1242 = vector.broadcast %add3A_1241 : i32 to vector<16xi32>
    %add3A_1243 = arith.addi %get3A_1168, %add3A_1242 : vector<16xi32>
    %ge3A_1244 = arith.constant 0 : i32
    %ge3A_1245 = vector.broadcast %ge3A_1244 : i32 to vector<16xi32>
    %ge3A_1246 = arith.cmpi sge, %add3A_1240, %ge3A_1245 : vector<16xi32>
    %lt3A_1247 = arith.constant 512 : i32
    %lt3A_1248 = vector.broadcast %lt3A_1247 : i32 to vector<16xi32>
    %lt3A_1249 = arith.cmpi slt, %add3A_1240, %lt3A_1248 : vector<16xi32>
    %and3A_1250 = arith.andi %ge3A_1246, %lt3A_1249 : vector<16xi1>
    %ge3A_1251 = arith.constant 0 : i32
    %ge3A_1252 = vector.broadcast %ge3A_1251 : i32 to vector<16xi32>
    %ge3A_1253 = arith.cmpi sge, %add3A_1243, %ge3A_1252 : vector<16xi32>
    %and3A_1254 = arith.andi %and3A_1250, %ge3A_1253 : vector<16xi1>
    %lt3A_1255 = arith.constant 512 : i32
    %lt3A_1256 = vector.broadcast %lt3A_1255 : i32 to vector<16xi32>
    %lt3A_1257 = arith.cmpi slt, %add3A_1243, %lt3A_1256 : vector<16xi32>
    %and3A_1258 = arith.andi %and3A_1254, %lt3A_1257 : vector<16xi1>
    %select_n3A_1259 = arith.select %and3A_1258, %add3A_13, %broadcast_in_dim3A_15 : vector<16xi1>, vector<16xf32>
    %get3A_1260 = arith.constant 128 : index
    %get3A_1261 = tpu.vector_load %arg11[%get3A_1260] {strides = array<i32>} : memref<576xf32, #tpu.memory_space<vmem>>, vector<16xf32>,
    %get3A_1262 = vector.shape_cast %get3A_1261 : vector<16xf32> to vector<16xf32>
    %mul3A_1263 = arith.mulf %get3A_1262, %select_n3A_1259 : vector<16xf32>
    %add3A_1264 = arith.addf %add3A_1236, %mul3A_1263 : vector<16xf32>
    %add3A_1265 = arith.addf %add3A_1237, %select_n3A_1259 : vector<16xf32>
    %add3A_1266 = arith.constant 0 : i32
    %add3A_1267 = vector.broadcast %add3A_1266 : i32 to vector<16xi32>
    %add3A_1268 = arith.addi %get3A_1171, %add3A_1267 : vector<16xi32>
    %add3A_1269 = arith.constant -1 : i32
    %add3A_1270 = vector.broadcast %add3A_1269 : i32 to vector<16xi32>
    %add3A_1271 = arith.addi %get3A_1168, %add3A_1270 : vector<16xi32>
    %ge3A_1272 = arith.constant 0 : i32
    %ge3A_1273 = vector.broadcast %ge3A_1272 : i32 to vector<16xi32>
    %ge3A_1274 = arith.cmpi sge, %add3A_1268, %ge3A_1273 : vector<16xi32>
    %lt3A_1275 = arith.constant 512 : i32
    %lt3A_1276 = vector.broadcast %lt3A_1275 : i32 to vector<16xi32>
    %lt3A_1277 = arith.cmpi slt, %add3A_1268, %lt3A_1276 : vector<16xi32>
    %and3A_1278 = arith.andi %ge3A_1274, %lt3A_1277 : vector<16xi1>
    %ge3A_1279 = arith.constant 0 : i32
    %ge3A_1280 = vector.broadcast %ge3A_1279 : i32 to vector<16xi32>
    %ge3A_1281 = arith.cmpi sge, %add3A_1271, %ge3A_1280 : vector<16xi32>
    %and3A_1282 = arith.andi %and3A_1278, %ge3A_1281 : vector<16xi1>
    %lt3A_1283 = arith.constant 512 : i32
    %lt3A_1284 = vector.broadcast %lt3A_1283 : i32 to vector<16xi32>
    %lt3A_1285 = arith.cmpi slt, %add3A_1271, %lt3A_1284 : vector<16xi32>
    %and3A_1286 = arith.andi %and3A_1282, %lt3A_1285 : vector<16xi1>
    %select_n3A_1287 = arith.select %and3A_1286, %add3A_13, %broadcast_in_dim3A_15 : vector<16xi1>, vector<16xf32>
    %get3A_1288 = arith.constant 192 : index
    %get3A_1289 = tpu.vector_load %arg11[%get3A_1288] {strides = array<i32>} : memref<576xf32, #tpu.memory_space<vmem>>, vector<16xf32>,
    %get3A_1290 = vector.shape_cast %get3A_1289 : vector<16xf32> to vector<16xf32>
    %mul3A_1291 = arith.mulf %get3A_1290, %select_n3A_1287 : vector<16xf32>
    %add3A_1292 = arith.addf %add3A_1264, %mul3A_1291 : vector<16xf32>
    %add3A_1293 = arith.addf %add3A_1265, %select_n3A_1287 : vector<16xf32>
    %add3A_1294 = arith.constant 0 : i32
    %add3A_1295 = vector.broadcast %add3A_1294 : i32 to vector<16xi32>
    %add3A_1296 = arith.addi %get3A_1171, %add3A_1295 : vector<16xi32>
    %add3A_1297 = arith.constant 0 : i32
    %add3A_1298 = vector.broadcast %add3A_1297 : i32 to vector<16xi32>
    %add3A_1299 = arith.addi %get3A_1168, %add3A_1298 : vector<16xi32>
    %ge3A_1300 = arith.constant 0 : i32
    %ge3A_1301 = vector.broadcast %ge3A_1300 : i32 to vector<16xi32>
    %ge3A_1302 = arith.cmpi sge, %add3A_1296, %ge3A_1301 : vector<16xi32>
    %lt3A_1303 = arith.constant 512 : i32
    %lt3A_1304 = vector.broadcast %lt3A_1303 : i32 to vector<16xi32>
    %lt3A_1305 = arith.cmpi slt, %add3A_1296, %lt3A_1304 : vector<16xi32>
    %and3A_1306 = arith.andi %ge3A_1302, %lt3A_1305 : vector<16xi1>
    %ge3A_1307 = arith.constant 0 : i32
    %ge3A_1308 = vector.broadcast %ge3A_1307 : i32 to vector<16xi32>
    %ge3A_1309 = arith.cmpi sge, %add3A_1299, %ge3A_1308 : vector<16xi32>
    %and3A_1310 = arith.andi %and3A_1306, %ge3A_1309 : vector<16xi1>
    %lt3A_1311 = arith.constant 512 : i32
    %lt3A_1312 = vector.broadcast %lt3A_1311 : i32 to vector<16xi32>
    %lt3A_1313 = arith.cmpi slt, %add3A_1299, %lt3A_1312 : vector<16xi32>
    %and3A_1314 = arith.andi %and3A_1310, %lt3A_1313 : vector<16xi1>
    %select_n3A_1315 = arith.select %and3A_1314, %add3A_13, %broadcast_in_dim3A_15 : vector<16xi1>, vector<16xf32>
    %get3A_1316 = arith.constant 256 : index
    %get3A_1317 = tpu.vector_load %arg11[%get3A_1316] {strides = array<i32>} : memref<576xf32, #tpu.memory_space<vmem>>, vector<16xf32>,
    %get3A_1318 = vector.shape_cast %get3A_1317 : vector<16xf32> to vector<16xf32>
    %mul3A_1319 = arith.mulf %get3A_1318, %select_n3A_1315 : vector<16xf32>
    %add3A_1320 = arith.addf %add3A_1292, %mul3A_1319 : vector<16xf32>
    %add3A_1321 = arith.addf %add3A_1293, %select_n3A_1315 : vector<16xf32>
    %add3A_1322 = arith.constant 0 : i32
    %add3A_1323 = vector.broadcast %add3A_1322 : i32 to vector<16xi32>
    %add3A_1324 = arith.addi %get3A_1171, %add3A_1323 : vector<16xi32>
    %add3A_1325 = arith.constant 1 : i32
    %add3A_1326 = vector.broadcast %add3A_1325 : i32 to vector<16xi32>
    %add3A_1327 = arith.addi %get3A_1168, %add3A_1326 : vector<16xi32>
    %ge3A_1328 = arith.constant 0 : i32
    %ge3A_1329 = vector.broadcast %ge3A_1328 : i32 to vector<16xi32>
    %ge3A_1330 = arith.cmpi sge, %add3A_1324, %ge3A_1329 : vector<16xi32>
    %lt3A_1331 = arith.constant 512 : i32
    %lt3A_1332 = vector.broadcast %lt3A_1331 : i32 to vector<16xi32>
    %lt3A_1333 = arith.cmpi slt, %add3A_1324, %lt3A_1332 : vector<16xi32>
    %and3A_1334 = arith.andi %ge3A_1330, %lt3A_1333 : vector<16xi1>
    %ge3A_1335 = arith.constant 0 : i32
    %ge3A_1336 = vector.broadcast %ge3A_1335 : i32 to vector<16xi32>
    %ge3A_1337 = arith.cmpi sge, %add3A_1327, %ge3A_1336 : vector<16xi32>
    %and3A_1338 = arith.andi %and3A_1334, %ge3A_1337 : vector<16xi1>
    %lt3A_1339 = arith.constant 512 : i32
    %lt3A_1340 = vector.broadcast %lt3A_1339 : i32 to vector<16xi32>
    %lt3A_1341 = arith.cmpi slt, %add3A_1327, %lt3A_1340 : vector<16xi32>
    %and3A_1342 = arith.andi %and3A_1338, %lt3A_1341 : vector<16xi1>
    %select_n3A_1343 = arith.select %and3A_1342, %add3A_13, %broadcast_in_dim3A_15 : vector<16xi1>, vector<16xf32>
    %get3A_1344 = arith.constant 320 : index
    %get3A_1345 = tpu.vector_load %arg11[%get3A_1344] {strides = array<i32>} : memref<576xf32, #tpu.memory_space<vmem>>, vector<16xf32>,
    %get3A_1346 = vector.shape_cast %get3A_1345 : vector<16xf32> to vector<16xf32>
    %mul3A_1347 = arith.mulf %get3A_1346, %select_n3A_1343 : vector<16xf32>
    %add3A_1348 = arith.addf %add3A_1320, %mul3A_1347 : vector<16xf32>
    %add3A_1349 = arith.addf %add3A_1321, %select_n3A_1343 : vector<16xf32>
    %add3A_1350 = arith.constant 1 : i32
    %add3A_1351 = vector.broadcast %add3A_1350 : i32 to vector<16xi32>
    %add3A_1352 = arith.addi %get3A_1171, %add3A_1351 : vector<16xi32>
    %add3A_1353 = arith.constant -1 : i32
    %add3A_1354 = vector.broadcast %add3A_1353 : i32 to vector<16xi32>
    %add3A_1355 = arith.addi %get3A_1168, %add3A_1354 : vector<16xi32>
    %ge3A_1356 = arith.constant 0 : i32
    %ge3A_1357 = vector.broadcast %ge3A_1356 : i32 to vector<16xi32>
    %ge3A_1358 = arith.cmpi sge, %add3A_1352, %ge3A_1357 : vector<16xi32>
    %lt3A_1359 = arith.constant 512 : i32
    %lt3A_1360 = vector.broadcast %lt3A_1359 : i32 to vector<16xi32>
    %lt3A_1361 = arith.cmpi slt, %add3A_1352, %lt3A_1360 : vector<16xi32>
    %and3A_1362 = arith.andi %ge3A_1358, %lt3A_1361 : vector<16xi1>
    %ge3A_1363 = arith.constant 0 : i32
    %ge3A_1364 = vector.broadcast %ge3A_1363 : i32 to vector<16xi32>
    %ge3A_1365 = arith.cmpi sge, %add3A_1355, %ge3A_1364 : vector<16xi32>
    %and3A_1366 = arith.andi %and3A_1362, %ge3A_1365 : vector<16xi1>
    %lt3A_1367 = arith.constant 512 : i32
    %lt3A_1368 = vector.broadcast %lt3A_1367 : i32 to vector<16xi32>
    %lt3A_1369 = arith.cmpi slt, %add3A_1355, %lt3A_1368 : vector<16xi32>
    %and3A_1370 = arith.andi %and3A_1366, %lt3A_1369 : vector<16xi1>
    %select_n3A_1371 = arith.select %and3A_1370, %add3A_13, %broadcast_in_dim3A_15 : vector<16xi1>, vector<16xf32>
    %get3A_1372 = arith.constant 384 : index
    %get3A_1373 = tpu.vector_load %arg11[%get3A_1372] {strides = array<i32>} : memref<576xf32, #tpu.memory_space<vmem>>, vector<16xf32>,
    %get3A_1374 = vector.shape_cast %get3A_1373 : vector<16xf32> to vector<16xf32>
    %mul3A_1375 = arith.mulf %get3A_1374, %select_n3A_1371 : vector<16xf32>
    %add3A_1376 = arith.addf %add3A_1348, %mul3A_1375 : vector<16xf32>
    %add3A_1377 = arith.addf %add3A_1349, %select_n3A_1371 : vector<16xf32>
    %add3A_1378 = arith.constant 1 : i32
    %add3A_1379 = vector.broadcast %add3A_1378 : i32 to vector<16xi32>
    %add3A_1380 = arith.addi %get3A_1171, %add3A_1379 : vector<16xi32>
    %add3A_1381 = arith.constant 0 : i32
    %add3A_1382 = vector.broadcast %add3A_1381 : i32 to vector<16xi32>
    %add3A_1383 = arith.addi %get3A_1168, %add3A_1382 : vector<16xi32>
    %ge3A_1384 = arith.constant 0 : i32
    %ge3A_1385 = vector.broadcast %ge3A_1384 : i32 to vector<16xi32>
    %ge3A_1386 = arith.cmpi sge, %add3A_1380, %ge3A_1385 : vector<16xi32>
    %lt3A_1387 = arith.constant 512 : i32
    %lt3A_1388 = vector.broadcast %lt3A_1387 : i32 to vector<16xi32>
    %lt3A_1389 = arith.cmpi slt, %add3A_1380, %lt3A_1388 : vector<16xi32>
    %and3A_1390 = arith.andi %ge3A_1386, %lt3A_1389 : vector<16xi1>
    %ge3A_1391 = arith.constant 0 : i32
    %ge3A_1392 = vector.broadcast %ge3A_1391 : i32 to vector<16xi32>
    %ge3A_1393 = arith.cmpi sge, %add3A_1383, %ge3A_1392 : vector<16xi32>
    %and3A_1394 = arith.andi %and3A_1390, %ge3A_1393 : vector<16xi1>
    %lt3A_1395 = arith.constant 512 : i32
    %lt3A_1396 = vector.broadcast %lt3A_1395 : i32 to vector<16xi32>
    %lt3A_1397 = arith.cmpi slt, %add3A_1383, %lt3A_1396 : vector<16xi32>
    %and3A_1398 = arith.andi %and3A_1394, %lt3A_1397 : vector<16xi1>
    %select_n3A_1399 = arith.select %and3A_1398, %add3A_13, %broadcast_in_dim3A_15 : vector<16xi1>, vector<16xf32>
    %get3A_1400 = arith.constant 448 : index
    %get3A_1401 = tpu.vector_load %arg11[%get3A_1400] {strides = array<i32>} : memref<576xf32, #tpu.memory_space<vmem>>, vector<16xf32>,
    %get3A_1402 = vector.shape_cast %get3A_1401 : vector<16xf32> to vector<16xf32>
    %mul3A_1403 = arith.mulf %get3A_1402, %select_n3A_1399 : vector<16xf32>
    %add3A_1404 = arith.addf %add3A_1376, %mul3A_1403 : vector<16xf32>
    %add3A_1405 = arith.addf %add3A_1377, %select_n3A_1399 : vector<16xf32>
    %add3A_1406 = arith.constant 1 : i32
    %add3A_1407 = vector.broadcast %add3A_1406 : i32 to vector<16xi32>
    %add3A_1408 = arith.addi %get3A_1171, %add3A_1407 : vector<16xi32>
    %add3A_1409 = arith.constant 1 : i32
    %add3A_1410 = vector.broadcast %add3A_1409 : i32 to vector<16xi32>
    %add3A_1411 = arith.addi %get3A_1168, %add3A_1410 : vector<16xi32>
    %ge3A_1412 = arith.constant 0 : i32
    %ge3A_1413 = vector.broadcast %ge3A_1412 : i32 to vector<16xi32>
    %ge3A_1414 = arith.cmpi sge, %add3A_1408, %ge3A_1413 : vector<16xi32>
    %lt3A_1415 = arith.constant 512 : i32
    %lt3A_1416 = vector.broadcast %lt3A_1415 : i32 to vector<16xi32>
    %lt3A_1417 = arith.cmpi slt, %add3A_1408, %lt3A_1416 : vector<16xi32>
    %and3A_1418 = arith.andi %ge3A_1414, %lt3A_1417 : vector<16xi1>
    %ge3A_1419 = arith.constant 0 : i32
    %ge3A_1420 = vector.broadcast %ge3A_1419 : i32 to vector<16xi32>
    %ge3A_1421 = arith.cmpi sge, %add3A_1411, %ge3A_1420 : vector<16xi32>
    %and3A_1422 = arith.andi %and3A_1418, %ge3A_1421 : vector<16xi1>
    %lt3A_1423 = arith.constant 512 : i32
    %lt3A_1424 = vector.broadcast %lt3A_1423 : i32 to vector<16xi32>
    %lt3A_1425 = arith.cmpi slt, %add3A_1411, %lt3A_1424 : vector<16xi32>
    %and3A_1426 = arith.andi %and3A_1422, %lt3A_1425 : vector<16xi1>
    %select_n3A_1427 = arith.select %and3A_1426, %add3A_13, %broadcast_in_dim3A_15 : vector<16xi1>, vector<16xf32>
    %get3A_1428 = arith.constant 512 : index
    %get3A_1429 = tpu.vector_load %arg11[%get3A_1428] {strides = array<i32>} : memref<576xf32, #tpu.memory_space<vmem>>, vector<16xf32>,
    %get3A_1430 = vector.shape_cast %get3A_1429 : vector<16xf32> to vector<16xf32>
    %mul3A_1431 = arith.mulf %get3A_1430, %select_n3A_1427 : vector<16xf32>
    %add3A_1432 = arith.addf %add3A_1404, %mul3A_1431 : vector<16xf32>
    %add3A_1433 = arith.addf %add3A_1405, %select_n3A_1427 : vector<16xf32>
    %div3A = arith.divf %add3A_1432, %add3A_1433 : vector<16xf32>
    %sub3A = arith.subf %div3A, %get3A_1174 : vector<16xf32>
    %mul3A_1434 = arith.mulf %sub3A, %sub3A : vector<16xf32>
    %mul3A_1435 = arith.mulf %mul3A_1434, %select_n3A_1182 : vector<16xf32>
    %add3A_1436 = arith.addf %broadcast_in_dim3A_15, %mul3A_1435 : vector<16xf32>
    %get3A_1437 = arith.constant 16 : index
    %get3A_1438 = tpu.vector_load %arg7[%get3A_1437] {strides = array<i32>} : memref<64xi32, #tpu.memory_space<vmem>>, vector<16xi32>,
    %get3A_1439 = vector.shape_cast %get3A_1438 : vector<16xi32> to vector<16xi32>
    %get3A_1440 = arith.constant 16 : index
    %get3A_1441 = tpu.vector_load %arg8[%get3A_1440] {strides = array<i32>} : memref<64xi32, #tpu.memory_space<vmem>>, vector<16xi32>,
    %get3A_1442 = vector.shape_cast %get3A_1441 : vector<16xi32> to vector<16xi32>
    %get3A_1443 = arith.constant 16 : index
    %get3A_1444 = tpu.vector_load %arg9[%get3A_1443] {strides = array<i32>} : memref<64xf32, #tpu.memory_space<vmem>>, vector<16xf32>,
    %get3A_1445 = vector.shape_cast %get3A_1444 : vector<16xf32> to vector<16xf32>
    %add3A_1446 = arith.constant 16 : i32
    %add3A_1447 = arith.addi %mul3A_2, %add3A_1446 : i32
    %iota3A_1448 = tpu.iota {dimensions = array<i32: 0>} : vector<16xi32>
    %add3A_1449 = vector.broadcast %add3A_1447 : i32 to vector<16xi32>
    %add3A_1450 = arith.addi %add3A_1449, %iota3A_1448 : vector<16xi32>
    %lt3A_1451 = arith.constant 1600 : i32
    %lt3A_1452 = vector.broadcast %lt3A_1451 : i32 to vector<16xi32>
    %lt3A_1453 = arith.cmpi slt, %add3A_1450, %lt3A_1452 : vector<16xi32>
    %select_n3A_1454 = arith.select %lt3A_1453, %add3A_13, %broadcast_in_dim3A_15 : vector<16xi1>, vector<16xf32>
    %add3A_1455 = arith.constant -1 : i32
    %add3A_1456 = vector.broadcast %add3A_1455 : i32 to vector<16xi32>
    %add3A_1457 = arith.addi %get3A_1442, %add3A_1456 : vector<16xi32>
    %add3A_1458 = arith.constant -1 : i32
    %add3A_1459 = vector.broadcast %add3A_1458 : i32 to vector<16xi32>
    %add3A_1460 = arith.addi %get3A_1439, %add3A_1459 : vector<16xi32>
    %ge3A_1461 = arith.constant 0 : i32
    %ge3A_1462 = vector.broadcast %ge3A_1461 : i32 to vector<16xi32>
    %ge3A_1463 = arith.cmpi sge, %add3A_1457, %ge3A_1462 : vector<16xi32>
    %lt3A_1464 = arith.constant 512 : i32
    %lt3A_1465 = vector.broadcast %lt3A_1464 : i32 to vector<16xi32>
    %lt3A_1466 = arith.cmpi slt, %add3A_1457, %lt3A_1465 : vector<16xi32>
    %and3A_1467 = arith.andi %ge3A_1463, %lt3A_1466 : vector<16xi1>
    %ge3A_1468 = arith.constant 0 : i32
    %ge3A_1469 = vector.broadcast %ge3A_1468 : i32 to vector<16xi32>
    %ge3A_1470 = arith.cmpi sge, %add3A_1460, %ge3A_1469 : vector<16xi32>
    %and3A_1471 = arith.andi %and3A_1467, %ge3A_1470 : vector<16xi1>
    %lt3A_1472 = arith.constant 512 : i32
    %lt3A_1473 = vector.broadcast %lt3A_1472 : i32 to vector<16xi32>
    %lt3A_1474 = arith.cmpi slt, %add3A_1460, %lt3A_1473 : vector<16xi32>
    %and3A_1475 = arith.andi %and3A_1471, %lt3A_1474 : vector<16xi1>
    %select_n3A_1476 = arith.select %and3A_1475, %add3A_13, %broadcast_in_dim3A_15 : vector<16xi1>, vector<16xf32>
    %get3A_1477 = arith.constant 16 : index
    %get3A_1478 = tpu.vector_load %arg11[%get3A_1477] {strides = array<i32>} : memref<576xf32, #tpu.memory_space<vmem>>, vector<16xf32>,
    %get3A_1479 = vector.shape_cast %get3A_1478 : vector<16xf32> to vector<16xf32>
    %mul3A_1480 = arith.mulf %get3A_1479, %select_n3A_1476 : vector<16xf32>
    %add3A_1481 = arith.addf %broadcast_in_dim3A_15, %mul3A_1480 : vector<16xf32>
    %add3A_1482 = arith.addf %broadcast_in_dim3A_15, %select_n3A_1476 : vector<16xf32>
    %add3A_1483 = arith.constant -1 : i32
    %add3A_1484 = vector.broadcast %add3A_1483 : i32 to vector<16xi32>
    %add3A_1485 = arith.addi %get3A_1442, %add3A_1484 : vector<16xi32>
    %add3A_1486 = arith.constant 0 : i32
    %add3A_1487 = vector.broadcast %add3A_1486 : i32 to vector<16xi32>
    %add3A_1488 = arith.addi %get3A_1439, %add3A_1487 : vector<16xi32>
    %ge3A_1489 = arith.constant 0 : i32
    %ge3A_1490 = vector.broadcast %ge3A_1489 : i32 to vector<16xi32>
    %ge3A_1491 = arith.cmpi sge, %add3A_1485, %ge3A_1490 : vector<16xi32>
    %lt3A_1492 = arith.constant 512 : i32
    %lt3A_1493 = vector.broadcast %lt3A_1492 : i32 to vector<16xi32>
    %lt3A_1494 = arith.cmpi slt, %add3A_1485, %lt3A_1493 : vector<16xi32>
    %and3A_1495 = arith.andi %ge3A_1491, %lt3A_1494 : vector<16xi1>
    %ge3A_1496 = arith.constant 0 : i32
    %ge3A_1497 = vector.broadcast %ge3A_1496 : i32 to vector<16xi32>
    %ge3A_1498 = arith.cmpi sge, %add3A_1488, %ge3A_1497 : vector<16xi32>
    %and3A_1499 = arith.andi %and3A_1495, %ge3A_1498 : vector<16xi1>
    %lt3A_1500 = arith.constant 512 : i32
    %lt3A_1501 = vector.broadcast %lt3A_1500 : i32 to vector<16xi32>
    %lt3A_1502 = arith.cmpi slt, %add3A_1488, %lt3A_1501 : vector<16xi32>
    %and3A_1503 = arith.andi %and3A_1499, %lt3A_1502 : vector<16xi1>
    %select_n3A_1504 = arith.select %and3A_1503, %add3A_13, %broadcast_in_dim3A_15 : vector<16xi1>, vector<16xf32>
    %get3A_1505 = arith.constant 80 : index
    %get3A_1506 = tpu.vector_load %arg11[%get3A_1505] {strides = array<i32>} : memref<576xf32, #tpu.memory_space<vmem>>, vector<16xf32>,
    %get3A_1507 = vector.shape_cast %get3A_1506 : vector<16xf32> to vector<16xf32>
    %mul3A_1508 = arith.mulf %get3A_1507, %select_n3A_1504 : vector<16xf32>
    %add3A_1509 = arith.addf %add3A_1481, %mul3A_1508 : vector<16xf32>
    %add3A_1510 = arith.addf %add3A_1482, %select_n3A_1504 : vector<16xf32>
    %add3A_1511 = arith.constant -1 : i32
    %add3A_1512 = vector.broadcast %add3A_1511 : i32 to vector<16xi32>
    %add3A_1513 = arith.addi %get3A_1442, %add3A_1512 : vector<16xi32>
    %add3A_1514 = arith.constant 1 : i32
    %add3A_1515 = vector.broadcast %add3A_1514 : i32 to vector<16xi32>
    %add3A_1516 = arith.addi %get3A_1439, %add3A_1515 : vector<16xi32>
    %ge3A_1517 = arith.constant 0 : i32
    %ge3A_1518 = vector.broadcast %ge3A_1517 : i32 to vector<16xi32>
    %ge3A_1519 = arith.cmpi sge, %add3A_1513, %ge3A_1518 : vector<16xi32>
    %lt3A_1520 = arith.constant 512 : i32
    %lt3A_1521 = vector.broadcast %lt3A_1520 : i32 to vector<16xi32>
    %lt3A_1522 = arith.cmpi slt, %add3A_1513, %lt3A_1521 : vector<16xi32>
    %and3A_1523 = arith.andi %ge3A_1519, %lt3A_1522 : vector<16xi1>
    %ge3A_1524 = arith.constant 0 : i32
    %ge3A_1525 = vector.broadcast %ge3A_1524 : i32 to vector<16xi32>
    %ge3A_1526 = arith.cmpi sge, %add3A_1516, %ge3A_1525 : vector<16xi32>
    %and3A_1527 = arith.andi %and3A_1523, %ge3A_1526 : vector<16xi1>
    %lt3A_1528 = arith.constant 512 : i32
    %lt3A_1529 = vector.broadcast %lt3A_1528 : i32 to vector<16xi32>
    %lt3A_1530 = arith.cmpi slt, %add3A_1516, %lt3A_1529 : vector<16xi32>
    %and3A_1531 = arith.andi %and3A_1527, %lt3A_1530 : vector<16xi1>
    %select_n3A_1532 = arith.select %and3A_1531, %add3A_13, %broadcast_in_dim3A_15 : vector<16xi1>, vector<16xf32>
    %get3A_1533 = arith.constant 144 : index
    %get3A_1534 = tpu.vector_load %arg11[%get3A_1533] {strides = array<i32>} : memref<576xf32, #tpu.memory_space<vmem>>, vector<16xf32>,
    %get3A_1535 = vector.shape_cast %get3A_1534 : vector<16xf32> to vector<16xf32>
    %mul3A_1536 = arith.mulf %get3A_1535, %select_n3A_1532 : vector<16xf32>
    %add3A_1537 = arith.addf %add3A_1509, %mul3A_1536 : vector<16xf32>
    %add3A_1538 = arith.addf %add3A_1510, %select_n3A_1532 : vector<16xf32>
    %add3A_1539 = arith.constant 0 : i32
    %add3A_1540 = vector.broadcast %add3A_1539 : i32 to vector<16xi32>
    %add3A_1541 = arith.addi %get3A_1442, %add3A_1540 : vector<16xi32>
    %add3A_1542 = arith.constant -1 : i32
    %add3A_1543 = vector.broadcast %add3A_1542 : i32 to vector<16xi32>
    %add3A_1544 = arith.addi %get3A_1439, %add3A_1543 : vector<16xi32>
    %ge3A_1545 = arith.constant 0 : i32
    %ge3A_1546 = vector.broadcast %ge3A_1545 : i32 to vector<16xi32>
    %ge3A_1547 = arith.cmpi sge, %add3A_1541, %ge3A_1546 : vector<16xi32>
    %lt3A_1548 = arith.constant 512 : i32
    %lt3A_1549 = vector.broadcast %lt3A_1548 : i32 to vector<16xi32>
    %lt3A_1550 = arith.cmpi slt, %add3A_1541, %lt3A_1549 : vector<16xi32>
    %and3A_1551 = arith.andi %ge3A_1547, %lt3A_1550 : vector<16xi1>
    %ge3A_1552 = arith.constant 0 : i32
    %ge3A_1553 = vector.broadcast %ge3A_1552 : i32 to vector<16xi32>
    %ge3A_1554 = arith.cmpi sge, %add3A_1544, %ge3A_1553 : vector<16xi32>
    %and3A_1555 = arith.andi %and3A_1551, %ge3A_1554 : vector<16xi1>
    %lt3A_1556 = arith.constant 512 : i32
    %lt3A_1557 = vector.broadcast %lt3A_1556 : i32 to vector<16xi32>
    %lt3A_1558 = arith.cmpi slt, %add3A_1544, %lt3A_1557 : vector<16xi32>
    %and3A_1559 = arith.andi %and3A_1555, %lt3A_1558 : vector<16xi1>
    %select_n3A_1560 = arith.select %and3A_1559, %add3A_13, %broadcast_in_dim3A_15 : vector<16xi1>, vector<16xf32>
    %get3A_1561 = arith.constant 208 : index
    %get3A_1562 = tpu.vector_load %arg11[%get3A_1561] {strides = array<i32>} : memref<576xf32, #tpu.memory_space<vmem>>, vector<16xf32>,
    %get3A_1563 = vector.shape_cast %get3A_1562 : vector<16xf32> to vector<16xf32>
    %mul3A_1564 = arith.mulf %get3A_1563, %select_n3A_1560 : vector<16xf32>
    %add3A_1565 = arith.addf %add3A_1537, %mul3A_1564 : vector<16xf32>
    %add3A_1566 = arith.addf %add3A_1538, %select_n3A_1560 : vector<16xf32>
    %add3A_1567 = arith.constant 0 : i32
    %add3A_1568 = vector.broadcast %add3A_1567 : i32 to vector<16xi32>
    %add3A_1569 = arith.addi %get3A_1442, %add3A_1568 : vector<16xi32>
    %add3A_1570 = arith.constant 0 : i32
    %add3A_1571 = vector.broadcast %add3A_1570 : i32 to vector<16xi32>
    %add3A_1572 = arith.addi %get3A_1439, %add3A_1571 : vector<16xi32>
    %ge3A_1573 = arith.constant 0 : i32
    %ge3A_1574 = vector.broadcast %ge3A_1573 : i32 to vector<16xi32>
    %ge3A_1575 = arith.cmpi sge, %add3A_1569, %ge3A_1574 : vector<16xi32>
    %lt3A_1576 = arith.constant 512 : i32
    %lt3A_1577 = vector.broadcast %lt3A_1576 : i32 to vector<16xi32>
    %lt3A_1578 = arith.cmpi slt, %add3A_1569, %lt3A_1577 : vector<16xi32>
    %and3A_1579 = arith.andi %ge3A_1575, %lt3A_1578 : vector<16xi1>
    %ge3A_1580 = arith.constant 0 : i32
    %ge3A_1581 = vector.broadcast %ge3A_1580 : i32 to vector<16xi32>
    %ge3A_1582 = arith.cmpi sge, %add3A_1572, %ge3A_1581 : vector<16xi32>
    %and3A_1583 = arith.andi %and3A_1579, %ge3A_1582 : vector<16xi1>
    %lt3A_1584 = arith.constant 512 : i32
    %lt3A_1585 = vector.broadcast %lt3A_1584 : i32 to vector<16xi32>
    %lt3A_1586 = arith.cmpi slt, %add3A_1572, %lt3A_1585 : vector<16xi32>
    %and3A_1587 = arith.andi %and3A_1583, %lt3A_1586 : vector<16xi1>
    %select_n3A_1588 = arith.select %and3A_1587, %add3A_13, %broadcast_in_dim3A_15 : vector<16xi1>, vector<16xf32>
    %get3A_1589 = arith.constant 272 : index
    %get3A_1590 = tpu.vector_load %arg11[%get3A_1589] {strides = array<i32>} : memref<576xf32, #tpu.memory_space<vmem>>, vector<16xf32>,
    %get3A_1591 = vector.shape_cast %get3A_1590 : vector<16xf32> to vector<16xf32>
    %mul3A_1592 = arith.mulf %get3A_1591, %select_n3A_1588 : vector<16xf32>
    %add3A_1593 = arith.addf %add3A_1565, %mul3A_1592 : vector<16xf32>
    %add3A_1594 = arith.addf %add3A_1566, %select_n3A_1588 : vector<16xf32>
    %add3A_1595 = arith.constant 0 : i32
    %add3A_1596 = vector.broadcast %add3A_1595 : i32 to vector<16xi32>
    %add3A_1597 = arith.addi %get3A_1442, %add3A_1596 : vector<16xi32>
    %add3A_1598 = arith.constant 1 : i32
    %add3A_1599 = vector.broadcast %add3A_1598 : i32 to vector<16xi32>
    %add3A_1600 = arith.addi %get3A_1439, %add3A_1599 : vector<16xi32>
    %ge3A_1601 = arith.constant 0 : i32
    %ge3A_1602 = vector.broadcast %ge3A_1601 : i32 to vector<16xi32>
    %ge3A_1603 = arith.cmpi sge, %add3A_1597, %ge3A_1602 : vector<16xi32>
    %lt3A_1604 = arith.constant 512 : i32
    %lt3A_1605 = vector.broadcast %lt3A_1604 : i32 to vector<16xi32>
    %lt3A_1606 = arith.cmpi slt, %add3A_1597, %lt3A_1605 : vector<16xi32>
    %and3A_1607 = arith.andi %ge3A_1603, %lt3A_1606 : vector<16xi1>
    %ge3A_1608 = arith.constant 0 : i32
    %ge3A_1609 = vector.broadcast %ge3A_1608 : i32 to vector<16xi32>
    %ge3A_1610 = arith.cmpi sge, %add3A_1600, %ge3A_1609 : vector<16xi32>
    %and3A_1611 = arith.andi %and3A_1607, %ge3A_1610 : vector<16xi1>
    %lt3A_1612 = arith.constant 512 : i32
    %lt3A_1613 = vector.broadcast %lt3A_1612 : i32 to vector<16xi32>
    %lt3A_1614 = arith.cmpi slt, %add3A_1600, %lt3A_1613 : vector<16xi32>
    %and3A_1615 = arith.andi %and3A_1611, %lt3A_1614 : vector<16xi1>
    %select_n3A_1616 = arith.select %and3A_1615, %add3A_13, %broadcast_in_dim3A_15 : vector<16xi1>, vector<16xf32>
    %get3A_1617 = arith.constant 336 : index
    %get3A_1618 = tpu.vector_load %arg11[%get3A_1617] {strides = array<i32>} : memref<576xf32, #tpu.memory_space<vmem>>, vector<16xf32>,
    %get3A_1619 = vector.shape_cast %get3A_1618 : vector<16xf32> to vector<16xf32>
    %mul3A_1620 = arith.mulf %get3A_1619, %select_n3A_1616 : vector<16xf32>
    %add3A_1621 = arith.addf %add3A_1593, %mul3A_1620 : vector<16xf32>
    %add3A_1622 = arith.addf %add3A_1594, %select_n3A_1616 : vector<16xf32>
    %add3A_1623 = arith.constant 1 : i32
    %add3A_1624 = vector.broadcast %add3A_1623 : i32 to vector<16xi32>
    %add3A_1625 = arith.addi %get3A_1442, %add3A_1624 : vector<16xi32>
    %add3A_1626 = arith.constant -1 : i32
    %add3A_1627 = vector.broadcast %add3A_1626 : i32 to vector<16xi32>
    %add3A_1628 = arith.addi %get3A_1439, %add3A_1627 : vector<16xi32>
    %ge3A_1629 = arith.constant 0 : i32
    %ge3A_1630 = vector.broadcast %ge3A_1629 : i32 to vector<16xi32>
    %ge3A_1631 = arith.cmpi sge, %add3A_1625, %ge3A_1630 : vector<16xi32>
    %lt3A_1632 = arith.constant 512 : i32
    %lt3A_1633 = vector.broadcast %lt3A_1632 : i32 to vector<16xi32>
    %lt3A_1634 = arith.cmpi slt, %add3A_1625, %lt3A_1633 : vector<16xi32>
    %and3A_1635 = arith.andi %ge3A_1631, %lt3A_1634 : vector<16xi1>
    %ge3A_1636 = arith.constant 0 : i32
    %ge3A_1637 = vector.broadcast %ge3A_1636 : i32 to vector<16xi32>
    %ge3A_1638 = arith.cmpi sge, %add3A_1628, %ge3A_1637 : vector<16xi32>
    %and3A_1639 = arith.andi %and3A_1635, %ge3A_1638 : vector<16xi1>
    %lt3A_1640 = arith.constant 512 : i32
    %lt3A_1641 = vector.broadcast %lt3A_1640 : i32 to vector<16xi32>
    %lt3A_1642 = arith.cmpi slt, %add3A_1628, %lt3A_1641 : vector<16xi32>
    %and3A_1643 = arith.andi %and3A_1639, %lt3A_1642 : vector<16xi1>
    %select_n3A_1644 = arith.select %and3A_1643, %add3A_13, %broadcast_in_dim3A_15 : vector<16xi1>, vector<16xf32>
    %get3A_1645 = arith.constant 400 : index
    %get3A_1646 = tpu.vector_load %arg11[%get3A_1645] {strides = array<i32>} : memref<576xf32, #tpu.memory_space<vmem>>, vector<16xf32>,
    %get3A_1647 = vector.shape_cast %get3A_1646 : vector<16xf32> to vector<16xf32>
    %mul3A_1648 = arith.mulf %get3A_1647, %select_n3A_1644 : vector<16xf32>
    %add3A_1649 = arith.addf %add3A_1621, %mul3A_1648 : vector<16xf32>
    %add3A_1650 = arith.addf %add3A_1622, %select_n3A_1644 : vector<16xf32>
    %add3A_1651 = arith.constant 1 : i32
    %add3A_1652 = vector.broadcast %add3A_1651 : i32 to vector<16xi32>
    %add3A_1653 = arith.addi %get3A_1442, %add3A_1652 : vector<16xi32>
    %add3A_1654 = arith.constant 0 : i32
    %add3A_1655 = vector.broadcast %add3A_1654 : i32 to vector<16xi32>
    %add3A_1656 = arith.addi %get3A_1439, %add3A_1655 : vector<16xi32>
    %ge3A_1657 = arith.constant 0 : i32
    %ge3A_1658 = vector.broadcast %ge3A_1657 : i32 to vector<16xi32>
    %ge3A_1659 = arith.cmpi sge, %add3A_1653, %ge3A_1658 : vector<16xi32>
    %lt3A_1660 = arith.constant 512 : i32
    %lt3A_1661 = vector.broadcast %lt3A_1660 : i32 to vector<16xi32>
    %lt3A_1662 = arith.cmpi slt, %add3A_1653, %lt3A_1661 : vector<16xi32>
    %and3A_1663 = arith.andi %ge3A_1659, %lt3A_1662 : vector<16xi1>
    %ge3A_1664 = arith.constant 0 : i32
    %ge3A_1665 = vector.broadcast %ge3A_1664 : i32 to vector<16xi32>
    %ge3A_1666 = arith.cmpi sge, %add3A_1656, %ge3A_1665 : vector<16xi32>
    %and3A_1667 = arith.andi %and3A_1663, %ge3A_1666 : vector<16xi1>
    %lt3A_1668 = arith.constant 512 : i32
    %lt3A_1669 = vector.broadcast %lt3A_1668 : i32 to vector<16xi32>
    %lt3A_1670 = arith.cmpi slt, %add3A_1656, %lt3A_1669 : vector<16xi32>
    %and3A_1671 = arith.andi %and3A_1667, %lt3A_1670 : vector<16xi1>
    %select_n3A_1672 = arith.select %and3A_1671, %add3A_13, %broadcast_in_dim3A_15 : vector<16xi1>, vector<16xf32>
    %get3A_1673 = arith.constant 464 : index
    %get3A_1674 = tpu.vector_load %arg11[%get3A_1673] {strides = array<i32>} : memref<576xf32, #tpu.memory_space<vmem>>, vector<16xf32>,
    %get3A_1675 = vector.shape_cast %get3A_1674 : vector<16xf32> to vector<16xf32>
    %mul3A_1676 = arith.mulf %get3A_1675, %select_n3A_1672 : vector<16xf32>
    %add3A_1677 = arith.addf %add3A_1649, %mul3A_1676 : vector<16xf32>
    %add3A_1678 = arith.addf %add3A_1650, %select_n3A_1672 : vector<16xf32>
    %add3A_1679 = arith.constant 1 : i32
    %add3A_1680 = vector.broadcast %add3A_1679 : i32 to vector<16xi32>
    %add3A_1681 = arith.addi %get3A_1442, %add3A_1680 : vector<16xi32>
    %add3A_1682 = arith.constant 1 : i32
    %add3A_1683 = vector.broadcast %add3A_1682 : i32 to vector<16xi32>
    %add3A_1684 = arith.addi %get3A_1439, %add3A_1683 : vector<16xi32>
    %ge3A_1685 = arith.constant 0 : i32
    %ge3A_1686 = vector.broadcast %ge3A_1685 : i32 to vector<16xi32>
    %ge3A_1687 = arith.cmpi sge, %add3A_1681, %ge3A_1686 : vector<16xi32>
    %lt3A_1688 = arith.constant 512 : i32
    %lt3A_1689 = vector.broadcast %lt3A_1688 : i32 to vector<16xi32>
    %lt3A_1690 = arith.cmpi slt, %add3A_1681, %lt3A_1689 : vector<16xi32>
    %and3A_1691 = arith.andi %ge3A_1687, %lt3A_1690 : vector<16xi1>
    %ge3A_1692 = arith.constant 0 : i32
    %ge3A_1693 = vector.broadcast %ge3A_1692 : i32 to vector<16xi32>
    %ge3A_1694 = arith.cmpi sge, %add3A_1684, %ge3A_1693 : vector<16xi32>
    %and3A_1695 = arith.andi %and3A_1691, %ge3A_1694 : vector<16xi1>
    %lt3A_1696 = arith.constant 512 : i32
    %lt3A_1697 = vector.broadcast %lt3A_1696 : i32 to vector<16xi32>
    %lt3A_1698 = arith.cmpi slt, %add3A_1684, %lt3A_1697 : vector<16xi32>
    %and3A_1699 = arith.andi %and3A_1695, %lt3A_1698 : vector<16xi1>
    %select_n3A_1700 = arith.select %and3A_1699, %add3A_13, %broadcast_in_dim3A_15 : vector<16xi1>, vector<16xf32>
    %get3A_1701 = arith.constant 528 : index
    %get3A_1702 = tpu.vector_load %arg11[%get3A_1701] {strides = array<i32>} : memref<576xf32, #tpu.memory_space<vmem>>, vector<16xf32>,
    %get3A_1703 = vector.shape_cast %get3A_1702 : vector<16xf32> to vector<16xf32>
    %mul3A_1704 = arith.mulf %get3A_1703, %select_n3A_1700 : vector<16xf32>
    %add3A_1705 = arith.addf %add3A_1677, %mul3A_1704 : vector<16xf32>
    %add3A_1706 = arith.addf %add3A_1678, %select_n3A_1700 : vector<16xf32>
    %div3A_1707 = arith.divf %add3A_1705, %add3A_1706 : vector<16xf32>
    %sub3A_1708 = arith.subf %div3A_1707, %get3A_1445 : vector<16xf32>
    %mul3A_1709 = arith.mulf %sub3A_1708, %sub3A_1708 : vector<16xf32>
    %mul3A_1710 = arith.mulf %mul3A_1709, %select_n3A_1454 : vector<16xf32>
    %add3A_1711 = arith.addf %add3A_1436, %mul3A_1710 : vector<16xf32>
    %get3A_1712 = arith.constant 32 : index
    %get3A_1713 = tpu.vector_load %arg7[%get3A_1712] {strides = array<i32>} : memref<64xi32, #tpu.memory_space<vmem>>, vector<16xi32>,
    %get3A_1714 = vector.shape_cast %get3A_1713 : vector<16xi32> to vector<16xi32>
    %get3A_1715 = arith.constant 32 : index
    %get3A_1716 = tpu.vector_load %arg8[%get3A_1715] {strides = array<i32>} : memref<64xi32, #tpu.memory_space<vmem>>, vector<16xi32>,
    %get3A_1717 = vector.shape_cast %get3A_1716 : vector<16xi32> to vector<16xi32>
    %get3A_1718 = arith.constant 32 : index
    %get3A_1719 = tpu.vector_load %arg9[%get3A_1718] {strides = array<i32>} : memref<64xf32, #tpu.memory_space<vmem>>, vector<16xf32>,
    %get3A_1720 = vector.shape_cast %get3A_1719 : vector<16xf32> to vector<16xf32>
    %add3A_1721 = arith.constant 32 : i32
    %add3A_1722 = arith.addi %mul3A_2, %add3A_1721 : i32
    %iota3A_1723 = tpu.iota {dimensions = array<i32: 0>} : vector<16xi32>
    %add3A_1724 = vector.broadcast %add3A_1722 : i32 to vector<16xi32>
    %add3A_1725 = arith.addi %add3A_1724, %iota3A_1723 : vector<16xi32>
    %lt3A_1726 = arith.constant 1600 : i32
    %lt3A_1727 = vector.broadcast %lt3A_1726 : i32 to vector<16xi32>
    %lt3A_1728 = arith.cmpi slt, %add3A_1725, %lt3A_1727 : vector<16xi32>
    %select_n3A_1729 = arith.select %lt3A_1728, %add3A_13, %broadcast_in_dim3A_15 : vector<16xi1>, vector<16xf32>
    %add3A_1730 = arith.constant -1 : i32
    %add3A_1731 = vector.broadcast %add3A_1730 : i32 to vector<16xi32>
    %add3A_1732 = arith.addi %get3A_1717, %add3A_1731 : vector<16xi32>
    %add3A_1733 = arith.constant -1 : i32
    %add3A_1734 = vector.broadcast %add3A_1733 : i32 to vector<16xi32>
    %add3A_1735 = arith.addi %get3A_1714, %add3A_1734 : vector<16xi32>
    %ge3A_1736 = arith.constant 0 : i32
    %ge3A_1737 = vector.broadcast %ge3A_1736 : i32 to vector<16xi32>
    %ge3A_1738 = arith.cmpi sge, %add3A_1732, %ge3A_1737 : vector<16xi32>
    %lt3A_1739 = arith.constant 512 : i32
    %lt3A_1740 = vector.broadcast %lt3A_1739 : i32 to vector<16xi32>
    %lt3A_1741 = arith.cmpi slt, %add3A_1732, %lt3A_1740 : vector<16xi32>
    %and3A_1742 = arith.andi %ge3A_1738, %lt3A_1741 : vector<16xi1>
    %ge3A_1743 = arith.constant 0 : i32
    %ge3A_1744 = vector.broadcast %ge3A_1743 : i32 to vector<16xi32>
    %ge3A_1745 = arith.cmpi sge, %add3A_1735, %ge3A_1744 : vector<16xi32>
    %and3A_1746 = arith.andi %and3A_1742, %ge3A_1745 : vector<16xi1>
    %lt3A_1747 = arith.constant 512 : i32
    %lt3A_1748 = vector.broadcast %lt3A_1747 : i32 to vector<16xi32>
    %lt3A_1749 = arith.cmpi slt, %add3A_1735, %lt3A_1748 : vector<16xi32>
    %and3A_1750 = arith.andi %and3A_1746, %lt3A_1749 : vector<16xi1>
    %select_n3A_1751 = arith.select %and3A_1750, %add3A_13, %broadcast_in_dim3A_15 : vector<16xi1>, vector<16xf32>
    %get3A_1752 = arith.constant 32 : index
    %get3A_1753 = tpu.vector_load %arg11[%get3A_1752] {strides = array<i32>} : memref<576xf32, #tpu.memory_space<vmem>>, vector<16xf32>,
    %get3A_1754 = vector.shape_cast %get3A_1753 : vector<16xf32> to vector<16xf32>
    %mul3A_1755 = arith.mulf %get3A_1754, %select_n3A_1751 : vector<16xf32>
    %add3A_1756 = arith.addf %broadcast_in_dim3A_15, %mul3A_1755 : vector<16xf32>
    %add3A_1757 = arith.addf %broadcast_in_dim3A_15, %select_n3A_1751 : vector<16xf32>
    %add3A_1758 = arith.constant -1 : i32
    %add3A_1759 = vector.broadcast %add3A_1758 : i32 to vector<16xi32>
    %add3A_1760 = arith.addi %get3A_1717, %add3A_1759 : vector<16xi32>
    %add3A_1761 = arith.constant 0 : i32
    %add3A_1762 = vector.broadcast %add3A_1761 : i32 to vector<16xi32>
    %add3A_1763 = arith.addi %get3A_1714, %add3A_1762 : vector<16xi32>
    %ge3A_1764 = arith.constant 0 : i32
    %ge3A_1765 = vector.broadcast %ge3A_1764 : i32 to vector<16xi32>
    %ge3A_1766 = arith.cmpi sge, %add3A_1760, %ge3A_1765 : vector<16xi32>
    %lt3A_1767 = arith.constant 512 : i32
    %lt3A_1768 = vector.broadcast %lt3A_1767 : i32 to vector<16xi32>
    %lt3A_1769 = arith.cmpi slt, %add3A_1760, %lt3A_1768 : vector<16xi32>
    %and3A_1770 = arith.andi %ge3A_1766, %lt3A_1769 : vector<16xi1>
    %ge3A_1771 = arith.constant 0 : i32
    %ge3A_1772 = vector.broadcast %ge3A_1771 : i32 to vector<16xi32>
    %ge3A_1773 = arith.cmpi sge, %add3A_1763, %ge3A_1772 : vector<16xi32>
    %and3A_1774 = arith.andi %and3A_1770, %ge3A_1773 : vector<16xi1>
    %lt3A_1775 = arith.constant 512 : i32
    %lt3A_1776 = vector.broadcast %lt3A_1775 : i32 to vector<16xi32>
    %lt3A_1777 = arith.cmpi slt, %add3A_1763, %lt3A_1776 : vector<16xi32>
    %and3A_1778 = arith.andi %and3A_1774, %lt3A_1777 : vector<16xi1>
    %select_n3A_1779 = arith.select %and3A_1778, %add3A_13, %broadcast_in_dim3A_15 : vector<16xi1>, vector<16xf32>
    %get3A_1780 = arith.constant 96 : index
    %get3A_1781 = tpu.vector_load %arg11[%get3A_1780] {strides = array<i32>} : memref<576xf32, #tpu.memory_space<vmem>>, vector<16xf32>,
    %get3A_1782 = vector.shape_cast %get3A_1781 : vector<16xf32> to vector<16xf32>
    %mul3A_1783 = arith.mulf %get3A_1782, %select_n3A_1779 : vector<16xf32>
    %add3A_1784 = arith.addf %add3A_1756, %mul3A_1783 : vector<16xf32>
    %add3A_1785 = arith.addf %add3A_1757, %select_n3A_1779 : vector<16xf32>
    %add3A_1786 = arith.constant -1 : i32
    %add3A_1787 = vector.broadcast %add3A_1786 : i32 to vector<16xi32>
    %add3A_1788 = arith.addi %get3A_1717, %add3A_1787 : vector<16xi32>
    %add3A_1789 = arith.constant 1 : i32
    %add3A_1790 = vector.broadcast %add3A_1789 : i32 to vector<16xi32>
    %add3A_1791 = arith.addi %get3A_1714, %add3A_1790 : vector<16xi32>
    %ge3A_1792 = arith.constant 0 : i32
    %ge3A_1793 = vector.broadcast %ge3A_1792 : i32 to vector<16xi32>
    %ge3A_1794 = arith.cmpi sge, %add3A_1788, %ge3A_1793 : vector<16xi32>
    %lt3A_1795 = arith.constant 512 : i32
    %lt3A_1796 = vector.broadcast %lt3A_1795 : i32 to vector<16xi32>
    %lt3A_1797 = arith.cmpi slt, %add3A_1788, %lt3A_1796 : vector<16xi32>
    %and3A_1798 = arith.andi %ge3A_1794, %lt3A_1797 : vector<16xi1>
    %ge3A_1799 = arith.constant 0 : i32
    %ge3A_1800 = vector.broadcast %ge3A_1799 : i32 to vector<16xi32>
    %ge3A_1801 = arith.cmpi sge, %add3A_1791, %ge3A_1800 : vector<16xi32>
    %and3A_1802 = arith.andi %and3A_1798, %ge3A_1801 : vector<16xi1>
    %lt3A_1803 = arith.constant 512 : i32
    %lt3A_1804 = vector.broadcast %lt3A_1803 : i32 to vector<16xi32>
    %lt3A_1805 = arith.cmpi slt, %add3A_1791, %lt3A_1804 : vector<16xi32>
    %and3A_1806 = arith.andi %and3A_1802, %lt3A_1805 : vector<16xi1>
    %select_n3A_1807 = arith.select %and3A_1806, %add3A_13, %broadcast_in_dim3A_15 : vector<16xi1>, vector<16xf32>
    %get3A_1808 = arith.constant 160 : index
    %get3A_1809 = tpu.vector_load %arg11[%get3A_1808] {strides = array<i32>} : memref<576xf32, #tpu.memory_space<vmem>>, vector<16xf32>,
    %get3A_1810 = vector.shape_cast %get3A_1809 : vector<16xf32> to vector<16xf32>
    %mul3A_1811 = arith.mulf %get3A_1810, %select_n3A_1807 : vector<16xf32>
    %add3A_1812 = arith.addf %add3A_1784, %mul3A_1811 : vector<16xf32>
    %add3A_1813 = arith.addf %add3A_1785, %select_n3A_1807 : vector<16xf32>
    %add3A_1814 = arith.constant 0 : i32
    %add3A_1815 = vector.broadcast %add3A_1814 : i32 to vector<16xi32>
    %add3A_1816 = arith.addi %get3A_1717, %add3A_1815 : vector<16xi32>
    %add3A_1817 = arith.constant -1 : i32
    %add3A_1818 = vector.broadcast %add3A_1817 : i32 to vector<16xi32>
    %add3A_1819 = arith.addi %get3A_1714, %add3A_1818 : vector<16xi32>
    %ge3A_1820 = arith.constant 0 : i32
    %ge3A_1821 = vector.broadcast %ge3A_1820 : i32 to vector<16xi32>
    %ge3A_1822 = arith.cmpi sge, %add3A_1816, %ge3A_1821 : vector<16xi32>
    %lt3A_1823 = arith.constant 512 : i32
    %lt3A_1824 = vector.broadcast %lt3A_1823 : i32 to vector<16xi32>
    %lt3A_1825 = arith.cmpi slt, %add3A_1816, %lt3A_1824 : vector<16xi32>
    %and3A_1826 = arith.andi %ge3A_1822, %lt3A_1825 : vector<16xi1>
    %ge3A_1827 = arith.constant 0 : i32
    %ge3A_1828 = vector.broadcast %ge3A_1827 : i32 to vector<16xi32>
    %ge3A_1829 = arith.cmpi sge, %add3A_1819, %ge3A_1828 : vector<16xi32>
    %and3A_1830 = arith.andi %and3A_1826, %ge3A_1829 : vector<16xi1>
    %lt3A_1831 = arith.constant 512 : i32
    %lt3A_1832 = vector.broadcast %lt3A_1831 : i32 to vector<16xi32>
    %lt3A_1833 = arith.cmpi slt, %add3A_1819, %lt3A_1832 : vector<16xi32>
    %and3A_1834 = arith.andi %and3A_1830, %lt3A_1833 : vector<16xi1>
    %select_n3A_1835 = arith.select %and3A_1834, %add3A_13, %broadcast_in_dim3A_15 : vector<16xi1>, vector<16xf32>
    %get3A_1836 = arith.constant 224 : index
    %get3A_1837 = tpu.vector_load %arg11[%get3A_1836] {strides = array<i32>} : memref<576xf32, #tpu.memory_space<vmem>>, vector<16xf32>,
    %get3A_1838 = vector.shape_cast %get3A_1837 : vector<16xf32> to vector<16xf32>
    %mul3A_1839 = arith.mulf %get3A_1838, %select_n3A_1835 : vector<16xf32>
    %add3A_1840 = arith.addf %add3A_1812, %mul3A_1839 : vector<16xf32>
    %add3A_1841 = arith.addf %add3A_1813, %select_n3A_1835 : vector<16xf32>
    %add3A_1842 = arith.constant 0 : i32
    %add3A_1843 = vector.broadcast %add3A_1842 : i32 to vector<16xi32>
    %add3A_1844 = arith.addi %get3A_1717, %add3A_1843 : vector<16xi32>
    %add3A_1845 = arith.constant 0 : i32
    %add3A_1846 = vector.broadcast %add3A_1845 : i32 to vector<16xi32>
    %add3A_1847 = arith.addi %get3A_1714, %add3A_1846 : vector<16xi32>
    %ge3A_1848 = arith.constant 0 : i32
    %ge3A_1849 = vector.broadcast %ge3A_1848 : i32 to vector<16xi32>
    %ge3A_1850 = arith.cmpi sge, %add3A_1844, %ge3A_1849 : vector<16xi32>
    %lt3A_1851 = arith.constant 512 : i32
    %lt3A_1852 = vector.broadcast %lt3A_1851 : i32 to vector<16xi32>
    %lt3A_1853 = arith.cmpi slt, %add3A_1844, %lt3A_1852 : vector<16xi32>
    %and3A_1854 = arith.andi %ge3A_1850, %lt3A_1853 : vector<16xi1>
    %ge3A_1855 = arith.constant 0 : i32
    %ge3A_1856 = vector.broadcast %ge3A_1855 : i32 to vector<16xi32>
    %ge3A_1857 = arith.cmpi sge, %add3A_1847, %ge3A_1856 : vector<16xi32>
    %and3A_1858 = arith.andi %and3A_1854, %ge3A_1857 : vector<16xi1>
    %lt3A_1859 = arith.constant 512 : i32
    %lt3A_1860 = vector.broadcast %lt3A_1859 : i32 to vector<16xi32>
    %lt3A_1861 = arith.cmpi slt, %add3A_1847, %lt3A_1860 : vector<16xi32>
    %and3A_1862 = arith.andi %and3A_1858, %lt3A_1861 : vector<16xi1>
    %select_n3A_1863 = arith.select %and3A_1862, %add3A_13, %broadcast_in_dim3A_15 : vector<16xi1>, vector<16xf32>
    %get3A_1864 = arith.constant 288 : index
    %get3A_1865 = tpu.vector_load %arg11[%get3A_1864] {strides = array<i32>} : memref<576xf32, #tpu.memory_space<vmem>>, vector<16xf32>,
    %get3A_1866 = vector.shape_cast %get3A_1865 : vector<16xf32> to vector<16xf32>
    %mul3A_1867 = arith.mulf %get3A_1866, %select_n3A_1863 : vector<16xf32>
    %add3A_1868 = arith.addf %add3A_1840, %mul3A_1867 : vector<16xf32>
    %add3A_1869 = arith.addf %add3A_1841, %select_n3A_1863 : vector<16xf32>
    %add3A_1870 = arith.constant 0 : i32
    %add3A_1871 = vector.broadcast %add3A_1870 : i32 to vector<16xi32>
    %add3A_1872 = arith.addi %get3A_1717, %add3A_1871 : vector<16xi32>
    %add3A_1873 = arith.constant 1 : i32
    %add3A_1874 = vector.broadcast %add3A_1873 : i32 to vector<16xi32>
    %add3A_1875 = arith.addi %get3A_1714, %add3A_1874 : vector<16xi32>
    %ge3A_1876 = arith.constant 0 : i32
    %ge3A_1877 = vector.broadcast %ge3A_1876 : i32 to vector<16xi32>
    %ge3A_1878 = arith.cmpi sge, %add3A_1872, %ge3A_1877 : vector<16xi32>
    %lt3A_1879 = arith.constant 512 : i32
    %lt3A_1880 = vector.broadcast %lt3A_1879 : i32 to vector<16xi32>
    %lt3A_1881 = arith.cmpi slt, %add3A_1872, %lt3A_1880 : vector<16xi32>
    %and3A_1882 = arith.andi %ge3A_1878, %lt3A_1881 : vector<16xi1>
    %ge3A_1883 = arith.constant 0 : i32
    %ge3A_1884 = vector.broadcast %ge3A_1883 : i32 to vector<16xi32>
    %ge3A_1885 = arith.cmpi sge, %add3A_1875, %ge3A_1884 : vector<16xi32>
    %and3A_1886 = arith.andi %and3A_1882, %ge3A_1885 : vector<16xi1>
    %lt3A_1887 = arith.constant 512 : i32
    %lt3A_1888 = vector.broadcast %lt3A_1887 : i32 to vector<16xi32>
    %lt3A_1889 = arith.cmpi slt, %add3A_1875, %lt3A_1888 : vector<16xi32>
    %and3A_1890 = arith.andi %and3A_1886, %lt3A_1889 : vector<16xi1>
    %select_n3A_1891 = arith.select %and3A_1890, %add3A_13, %broadcast_in_dim3A_15 : vector<16xi1>, vector<16xf32>
    %get3A_1892 = arith.constant 352 : index
    %get3A_1893 = tpu.vector_load %arg11[%get3A_1892] {strides = array<i32>} : memref<576xf32, #tpu.memory_space<vmem>>, vector<16xf32>,
    %get3A_1894 = vector.shape_cast %get3A_1893 : vector<16xf32> to vector<16xf32>
    %mul3A_1895 = arith.mulf %get3A_1894, %select_n3A_1891 : vector<16xf32>
    %add3A_1896 = arith.addf %add3A_1868, %mul3A_1895 : vector<16xf32>
    %add3A_1897 = arith.addf %add3A_1869, %select_n3A_1891 : vector<16xf32>
    %add3A_1898 = arith.constant 1 : i32
    %add3A_1899 = vector.broadcast %add3A_1898 : i32 to vector<16xi32>
    %add3A_1900 = arith.addi %get3A_1717, %add3A_1899 : vector<16xi32>
    %add3A_1901 = arith.constant -1 : i32
    %add3A_1902 = vector.broadcast %add3A_1901 : i32 to vector<16xi32>
    %add3A_1903 = arith.addi %get3A_1714, %add3A_1902 : vector<16xi32>
    %ge3A_1904 = arith.constant 0 : i32
    %ge3A_1905 = vector.broadcast %ge3A_1904 : i32 to vector<16xi32>
    %ge3A_1906 = arith.cmpi sge, %add3A_1900, %ge3A_1905 : vector<16xi32>
    %lt3A_1907 = arith.constant 512 : i32
    %lt3A_1908 = vector.broadcast %lt3A_1907 : i32 to vector<16xi32>
    %lt3A_1909 = arith.cmpi slt, %add3A_1900, %lt3A_1908 : vector<16xi32>
    %and3A_1910 = arith.andi %ge3A_1906, %lt3A_1909 : vector<16xi1>
    %ge3A_1911 = arith.constant 0 : i32
    %ge3A_1912 = vector.broadcast %ge3A_1911 : i32 to vector<16xi32>
    %ge3A_1913 = arith.cmpi sge, %add3A_1903, %ge3A_1912 : vector<16xi32>
    %and3A_1914 = arith.andi %and3A_1910, %ge3A_1913 : vector<16xi1>
    %lt3A_1915 = arith.constant 512 : i32
    %lt3A_1916 = vector.broadcast %lt3A_1915 : i32 to vector<16xi32>
    %lt3A_1917 = arith.cmpi slt, %add3A_1903, %lt3A_1916 : vector<16xi32>
    %and3A_1918 = arith.andi %and3A_1914, %lt3A_1917 : vector<16xi1>
    %select_n3A_1919 = arith.select %and3A_1918, %add3A_13, %broadcast_in_dim3A_15 : vector<16xi1>, vector<16xf32>
    %get3A_1920 = arith.constant 416 : index
    %get3A_1921 = tpu.vector_load %arg11[%get3A_1920] {strides = array<i32>} : memref<576xf32, #tpu.memory_space<vmem>>, vector<16xf32>,
    %get3A_1922 = vector.shape_cast %get3A_1921 : vector<16xf32> to vector<16xf32>
    %mul3A_1923 = arith.mulf %get3A_1922, %select_n3A_1919 : vector<16xf32>
    %add3A_1924 = arith.addf %add3A_1896, %mul3A_1923 : vector<16xf32>
    %add3A_1925 = arith.addf %add3A_1897, %select_n3A_1919 : vector<16xf32>
    %add3A_1926 = arith.constant 1 : i32
    %add3A_1927 = vector.broadcast %add3A_1926 : i32 to vector<16xi32>
    %add3A_1928 = arith.addi %get3A_1717, %add3A_1927 : vector<16xi32>
    %add3A_1929 = arith.constant 0 : i32
    %add3A_1930 = vector.broadcast %add3A_1929 : i32 to vector<16xi32>
    %add3A_1931 = arith.addi %get3A_1714, %add3A_1930 : vector<16xi32>
    %ge3A_1932 = arith.constant 0 : i32
    %ge3A_1933 = vector.broadcast %ge3A_1932 : i32 to vector<16xi32>
    %ge3A_1934 = arith.cmpi sge, %add3A_1928, %ge3A_1933 : vector<16xi32>
    %lt3A_1935 = arith.constant 512 : i32
    %lt3A_1936 = vector.broadcast %lt3A_1935 : i32 to vector<16xi32>
    %lt3A_1937 = arith.cmpi slt, %add3A_1928, %lt3A_1936 : vector<16xi32>
    %and3A_1938 = arith.andi %ge3A_1934, %lt3A_1937 : vector<16xi1>
    %ge3A_1939 = arith.constant 0 : i32
    %ge3A_1940 = vector.broadcast %ge3A_1939 : i32 to vector<16xi32>
    %ge3A_1941 = arith.cmpi sge, %add3A_1931, %ge3A_1940 : vector<16xi32>
    %and3A_1942 = arith.andi %and3A_1938, %ge3A_1941 : vector<16xi1>
    %lt3A_1943 = arith.constant 512 : i32
    %lt3A_1944 = vector.broadcast %lt3A_1943 : i32 to vector<16xi32>
    %lt3A_1945 = arith.cmpi slt, %add3A_1931, %lt3A_1944 : vector<16xi32>
    %and3A_1946 = arith.andi %and3A_1942, %lt3A_1945 : vector<16xi1>
    %select_n3A_1947 = arith.select %and3A_1946, %add3A_13, %broadcast_in_dim3A_15 : vector<16xi1>, vector<16xf32>
    %get3A_1948 = arith.constant 480 : index
    %get3A_1949 = tpu.vector_load %arg11[%get3A_1948] {strides = array<i32>} : memref<576xf32, #tpu.memory_space<vmem>>, vector<16xf32>,
    %get3A_1950 = vector.shape_cast %get3A_1949 : vector<16xf32> to vector<16xf32>
    %mul3A_1951 = arith.mulf %get3A_1950, %select_n3A_1947 : vector<16xf32>
    %add3A_1952 = arith.addf %add3A_1924, %mul3A_1951 : vector<16xf32>
    %add3A_1953 = arith.addf %add3A_1925, %select_n3A_1947 : vector<16xf32>
    %add3A_1954 = arith.constant 1 : i32
    %add3A_1955 = vector.broadcast %add3A_1954 : i32 to vector<16xi32>
    %add3A_1956 = arith.addi %get3A_1717, %add3A_1955 : vector<16xi32>
    %add3A_1957 = arith.constant 1 : i32
    %add3A_1958 = vector.broadcast %add3A_1957 : i32 to vector<16xi32>
    %add3A_1959 = arith.addi %get3A_1714, %add3A_1958 : vector<16xi32>
    %ge3A_1960 = arith.constant 0 : i32
    %ge3A_1961 = vector.broadcast %ge3A_1960 : i32 to vector<16xi32>
    %ge3A_1962 = arith.cmpi sge, %add3A_1956, %ge3A_1961 : vector<16xi32>
    %lt3A_1963 = arith.constant 512 : i32
    %lt3A_1964 = vector.broadcast %lt3A_1963 : i32 to vector<16xi32>
    %lt3A_1965 = arith.cmpi slt, %add3A_1956, %lt3A_1964 : vector<16xi32>
    %and3A_1966 = arith.andi %ge3A_1962, %lt3A_1965 : vector<16xi1>
    %ge3A_1967 = arith.constant 0 : i32
    %ge3A_1968 = vector.broadcast %ge3A_1967 : i32 to vector<16xi32>
    %ge3A_1969 = arith.cmpi sge, %add3A_1959, %ge3A_1968 : vector<16xi32>
    %and3A_1970 = arith.andi %and3A_1966, %ge3A_1969 : vector<16xi1>
    %lt3A_1971 = arith.constant 512 : i32
    %lt3A_1972 = vector.broadcast %lt3A_1971 : i32 to vector<16xi32>
    %lt3A_1973 = arith.cmpi slt, %add3A_1959, %lt3A_1972 : vector<16xi32>
    %and3A_1974 = arith.andi %and3A_1970, %lt3A_1973 : vector<16xi1>
    %select_n3A_1975 = arith.select %and3A_1974, %add3A_13, %broadcast_in_dim3A_15 : vector<16xi1>, vector<16xf32>
    %get3A_1976 = arith.constant 544 : index
    %get3A_1977 = tpu.vector_load %arg11[%get3A_1976] {strides = array<i32>} : memref<576xf32, #tpu.memory_space<vmem>>, vector<16xf32>,
    %get3A_1978 = vector.shape_cast %get3A_1977 : vector<16xf32> to vector<16xf32>
    %mul3A_1979 = arith.mulf %get3A_1978, %select_n3A_1975 : vector<16xf32>
    %add3A_1980 = arith.addf %add3A_1952, %mul3A_1979 : vector<16xf32>
    %add3A_1981 = arith.addf %add3A_1953, %select_n3A_1975 : vector<16xf32>
    %div3A_1982 = arith.divf %add3A_1980, %add3A_1981 : vector<16xf32>
    %sub3A_1983 = arith.subf %div3A_1982, %get3A_1720 : vector<16xf32>
    %mul3A_1984 = arith.mulf %sub3A_1983, %sub3A_1983 : vector<16xf32>
    %mul3A_1985 = arith.mulf %mul3A_1984, %select_n3A_1729 : vector<16xf32>
    %add3A_1986 = arith.addf %add3A_1711, %mul3A_1985 : vector<16xf32>
    %get3A_1987 = arith.constant 48 : index
    %get3A_1988 = tpu.vector_load %arg7[%get3A_1987] {strides = array<i32>} : memref<64xi32, #tpu.memory_space<vmem>>, vector<16xi32>,
    %get3A_1989 = vector.shape_cast %get3A_1988 : vector<16xi32> to vector<16xi32>
    %get3A_1990 = arith.constant 48 : index
    %get3A_1991 = tpu.vector_load %arg8[%get3A_1990] {strides = array<i32>} : memref<64xi32, #tpu.memory_space<vmem>>, vector<16xi32>,
    %get3A_1992 = vector.shape_cast %get3A_1991 : vector<16xi32> to vector<16xi32>
    %get3A_1993 = arith.constant 48 : index
    %get3A_1994 = tpu.vector_load %arg9[%get3A_1993] {strides = array<i32>} : memref<64xf32, #tpu.memory_space<vmem>>, vector<16xf32>,
    %get3A_1995 = vector.shape_cast %get3A_1994 : vector<16xf32> to vector<16xf32>
    %add3A_1996 = arith.constant 48 : i32
    %add3A_1997 = arith.addi %mul3A_2, %add3A_1996 : i32
    %iota3A_1998 = tpu.iota {dimensions = array<i32: 0>} : vector<16xi32>
    %add3A_1999 = vector.broadcast %add3A_1997 : i32 to vector<16xi32>
    %add3A_2000 = arith.addi %add3A_1999, %iota3A_1998 : vector<16xi32>
    %lt3A_2001 = arith.constant 1600 : i32
    %lt3A_2002 = vector.broadcast %lt3A_2001 : i32 to vector<16xi32>
    %lt3A_2003 = arith.cmpi slt, %add3A_2000, %lt3A_2002 : vector<16xi32>
    %select_n3A_2004 = arith.select %lt3A_2003, %add3A_13, %broadcast_in_dim3A_15 : vector<16xi1>, vector<16xf32>
    %add3A_2005 = arith.constant -1 : i32
    %add3A_2006 = vector.broadcast %add3A_2005 : i32 to vector<16xi32>
    %add3A_2007 = arith.addi %get3A_1992, %add3A_2006 : vector<16xi32>
    %add3A_2008 = arith.constant -1 : i32
    %add3A_2009 = vector.broadcast %add3A_2008 : i32 to vector<16xi32>
    %add3A_2010 = arith.addi %get3A_1989, %add3A_2009 : vector<16xi32>
    %ge3A_2011 = arith.constant 0 : i32
    %ge3A_2012 = vector.broadcast %ge3A_2011 : i32 to vector<16xi32>
    %ge3A_2013 = arith.cmpi sge, %add3A_2007, %ge3A_2012 : vector<16xi32>
    %lt3A_2014 = arith.constant 512 : i32
    %lt3A_2015 = vector.broadcast %lt3A_2014 : i32 to vector<16xi32>
    %lt3A_2016 = arith.cmpi slt, %add3A_2007, %lt3A_2015 : vector<16xi32>
    %and3A_2017 = arith.andi %ge3A_2013, %lt3A_2016 : vector<16xi1>
    %ge3A_2018 = arith.constant 0 : i32
    %ge3A_2019 = vector.broadcast %ge3A_2018 : i32 to vector<16xi32>
    %ge3A_2020 = arith.cmpi sge, %add3A_2010, %ge3A_2019 : vector<16xi32>
    %and3A_2021 = arith.andi %and3A_2017, %ge3A_2020 : vector<16xi1>
    %lt3A_2022 = arith.constant 512 : i32
    %lt3A_2023 = vector.broadcast %lt3A_2022 : i32 to vector<16xi32>
    %lt3A_2024 = arith.cmpi slt, %add3A_2010, %lt3A_2023 : vector<16xi32>
    %and3A_2025 = arith.andi %and3A_2021, %lt3A_2024 : vector<16xi1>
    %select_n3A_2026 = arith.select %and3A_2025, %add3A_13, %broadcast_in_dim3A_15 : vector<16xi1>, vector<16xf32>
    %get3A_2027 = arith.constant 48 : index
    %get3A_2028 = tpu.vector_load %arg11[%get3A_2027] {strides = array<i32>} : memref<576xf32, #tpu.memory_space<vmem>>, vector<16xf32>,
    %get3A_2029 = vector.shape_cast %get3A_2028 : vector<16xf32> to vector<16xf32>
    %mul3A_2030 = arith.mulf %get3A_2029, %select_n3A_2026 : vector<16xf32>
    %add3A_2031 = arith.addf %broadcast_in_dim3A_15, %mul3A_2030 : vector<16xf32>
    %add3A_2032 = arith.addf %broadcast_in_dim3A_15, %select_n3A_2026 : vector<16xf32>
    %add3A_2033 = arith.constant -1 : i32
    %add3A_2034 = vector.broadcast %add3A_2033 : i32 to vector<16xi32>
    %add3A_2035 = arith.addi %get3A_1992, %add3A_2034 : vector<16xi32>
    %add3A_2036 = arith.constant 0 : i32
    %add3A_2037 = vector.broadcast %add3A_2036 : i32 to vector<16xi32>
    %add3A_2038 = arith.addi %get3A_1989, %add3A_2037 : vector<16xi32>
    %ge3A_2039 = arith.constant 0 : i32
    %ge3A_2040 = vector.broadcast %ge3A_2039 : i32 to vector<16xi32>
    %ge3A_2041 = arith.cmpi sge, %add3A_2035, %ge3A_2040 : vector<16xi32>
    %lt3A_2042 = arith.constant 512 : i32
    %lt3A_2043 = vector.broadcast %lt3A_2042 : i32 to vector<16xi32>
    %lt3A_2044 = arith.cmpi slt, %add3A_2035, %lt3A_2043 : vector<16xi32>
    %and3A_2045 = arith.andi %ge3A_2041, %lt3A_2044 : vector<16xi1>
    %ge3A_2046 = arith.constant 0 : i32
    %ge3A_2047 = vector.broadcast %ge3A_2046 : i32 to vector<16xi32>
    %ge3A_2048 = arith.cmpi sge, %add3A_2038, %ge3A_2047 : vector<16xi32>
    %and3A_2049 = arith.andi %and3A_2045, %ge3A_2048 : vector<16xi1>
    %lt3A_2050 = arith.constant 512 : i32
    %lt3A_2051 = vector.broadcast %lt3A_2050 : i32 to vector<16xi32>
    %lt3A_2052 = arith.cmpi slt, %add3A_2038, %lt3A_2051 : vector<16xi32>
    %and3A_2053 = arith.andi %and3A_2049, %lt3A_2052 : vector<16xi1>
    %select_n3A_2054 = arith.select %and3A_2053, %add3A_13, %broadcast_in_dim3A_15 : vector<16xi1>, vector<16xf32>
    %get3A_2055 = arith.constant 112 : index
    %get3A_2056 = tpu.vector_load %arg11[%get3A_2055] {strides = array<i32>} : memref<576xf32, #tpu.memory_space<vmem>>, vector<16xf32>,
    %get3A_2057 = vector.shape_cast %get3A_2056 : vector<16xf32> to vector<16xf32>
    %mul3A_2058 = arith.mulf %get3A_2057, %select_n3A_2054 : vector<16xf32>
    %add3A_2059 = arith.addf %add3A_2031, %mul3A_2058 : vector<16xf32>
    %add3A_2060 = arith.addf %add3A_2032, %select_n3A_2054 : vector<16xf32>
    %add3A_2061 = arith.constant -1 : i32
    %add3A_2062 = vector.broadcast %add3A_2061 : i32 to vector<16xi32>
    %add3A_2063 = arith.addi %get3A_1992, %add3A_2062 : vector<16xi32>
    %add3A_2064 = arith.constant 1 : i32
    %add3A_2065 = vector.broadcast %add3A_2064 : i32 to vector<16xi32>
    %add3A_2066 = arith.addi %get3A_1989, %add3A_2065 : vector<16xi32>
    %ge3A_2067 = arith.constant 0 : i32
    %ge3A_2068 = vector.broadcast %ge3A_2067 : i32 to vector<16xi32>
    %ge3A_2069 = arith.cmpi sge, %add3A_2063, %ge3A_2068 : vector<16xi32>
    %lt3A_2070 = arith.constant 512 : i32
    %lt3A_2071 = vector.broadcast %lt3A_2070 : i32 to vector<16xi32>
    %lt3A_2072 = arith.cmpi slt, %add3A_2063, %lt3A_2071 : vector<16xi32>
    %and3A_2073 = arith.andi %ge3A_2069, %lt3A_2072 : vector<16xi1>
    %ge3A_2074 = arith.constant 0 : i32
    %ge3A_2075 = vector.broadcast %ge3A_2074 : i32 to vector<16xi32>
    %ge3A_2076 = arith.cmpi sge, %add3A_2066, %ge3A_2075 : vector<16xi32>
    %and3A_2077 = arith.andi %and3A_2073, %ge3A_2076 : vector<16xi1>
    %lt3A_2078 = arith.constant 512 : i32
    %lt3A_2079 = vector.broadcast %lt3A_2078 : i32 to vector<16xi32>
    %lt3A_2080 = arith.cmpi slt, %add3A_2066, %lt3A_2079 : vector<16xi32>
    %and3A_2081 = arith.andi %and3A_2077, %lt3A_2080 : vector<16xi1>
    %select_n3A_2082 = arith.select %and3A_2081, %add3A_13, %broadcast_in_dim3A_15 : vector<16xi1>, vector<16xf32>
    %get3A_2083 = arith.constant 176 : index
    %get3A_2084 = tpu.vector_load %arg11[%get3A_2083] {strides = array<i32>} : memref<576xf32, #tpu.memory_space<vmem>>, vector<16xf32>,
    %get3A_2085 = vector.shape_cast %get3A_2084 : vector<16xf32> to vector<16xf32>
    %mul3A_2086 = arith.mulf %get3A_2085, %select_n3A_2082 : vector<16xf32>
    %add3A_2087 = arith.addf %add3A_2059, %mul3A_2086 : vector<16xf32>
    %add3A_2088 = arith.addf %add3A_2060, %select_n3A_2082 : vector<16xf32>
    %add3A_2089 = arith.constant 0 : i32
    %add3A_2090 = vector.broadcast %add3A_2089 : i32 to vector<16xi32>
    %add3A_2091 = arith.addi %get3A_1992, %add3A_2090 : vector<16xi32>
    %add3A_2092 = arith.constant -1 : i32
    %add3A_2093 = vector.broadcast %add3A_2092 : i32 to vector<16xi32>
    %add3A_2094 = arith.addi %get3A_1989, %add3A_2093 : vector<16xi32>
    %ge3A_2095 = arith.constant 0 : i32
    %ge3A_2096 = vector.broadcast %ge3A_2095 : i32 to vector<16xi32>
    %ge3A_2097 = arith.cmpi sge, %add3A_2091, %ge3A_2096 : vector<16xi32>
    %lt3A_2098 = arith.constant 512 : i32
    %lt3A_2099 = vector.broadcast %lt3A_2098 : i32 to vector<16xi32>
    %lt3A_2100 = arith.cmpi slt, %add3A_2091, %lt3A_2099 : vector<16xi32>
    %and3A_2101 = arith.andi %ge3A_2097, %lt3A_2100 : vector<16xi1>
    %ge3A_2102 = arith.constant 0 : i32
    %ge3A_2103 = vector.broadcast %ge3A_2102 : i32 to vector<16xi32>
    %ge3A_2104 = arith.cmpi sge, %add3A_2094, %ge3A_2103 : vector<16xi32>
    %and3A_2105 = arith.andi %and3A_2101, %ge3A_2104 : vector<16xi1>
    %lt3A_2106 = arith.constant 512 : i32
    %lt3A_2107 = vector.broadcast %lt3A_2106 : i32 to vector<16xi32>
    %lt3A_2108 = arith.cmpi slt, %add3A_2094, %lt3A_2107 : vector<16xi32>
    %and3A_2109 = arith.andi %and3A_2105, %lt3A_2108 : vector<16xi1>
    %select_n3A_2110 = arith.select %and3A_2109, %add3A_13, %broadcast_in_dim3A_15 : vector<16xi1>, vector<16xf32>
    %get3A_2111 = arith.constant 240 : index
    %get3A_2112 = tpu.vector_load %arg11[%get3A_2111] {strides = array<i32>} : memref<576xf32, #tpu.memory_space<vmem>>, vector<16xf32>,
    %get3A_2113 = vector.shape_cast %get3A_2112 : vector<16xf32> to vector<16xf32>
    %mul3A_2114 = arith.mulf %get3A_2113, %select_n3A_2110 : vector<16xf32>
    %add3A_2115 = arith.addf %add3A_2087, %mul3A_2114 : vector<16xf32>
    %add3A_2116 = arith.addf %add3A_2088, %select_n3A_2110 : vector<16xf32>
    %add3A_2117 = arith.constant 0 : i32
    %add3A_2118 = vector.broadcast %add3A_2117 : i32 to vector<16xi32>
    %add3A_2119 = arith.addi %get3A_1992, %add3A_2118 : vector<16xi32>
    %add3A_2120 = arith.constant 0 : i32
    %add3A_2121 = vector.broadcast %add3A_2120 : i32 to vector<16xi32>
    %add3A_2122 = arith.addi %get3A_1989, %add3A_2121 : vector<16xi32>
    %ge3A_2123 = arith.constant 0 : i32
    %ge3A_2124 = vector.broadcast %ge3A_2123 : i32 to vector<16xi32>
    %ge3A_2125 = arith.cmpi sge, %add3A_2119, %ge3A_2124 : vector<16xi32>
    %lt3A_2126 = arith.constant 512 : i32
    %lt3A_2127 = vector.broadcast %lt3A_2126 : i32 to vector<16xi32>
    %lt3A_2128 = arith.cmpi slt, %add3A_2119, %lt3A_2127 : vector<16xi32>
    %and3A_2129 = arith.andi %ge3A_2125, %lt3A_2128 : vector<16xi1>
    %ge3A_2130 = arith.constant 0 : i32
    %ge3A_2131 = vector.broadcast %ge3A_2130 : i32 to vector<16xi32>
    %ge3A_2132 = arith.cmpi sge, %add3A_2122, %ge3A_2131 : vector<16xi32>
    %and3A_2133 = arith.andi %and3A_2129, %ge3A_2132 : vector<16xi1>
    %lt3A_2134 = arith.constant 512 : i32
    %lt3A_2135 = vector.broadcast %lt3A_2134 : i32 to vector<16xi32>
    %lt3A_2136 = arith.cmpi slt, %add3A_2122, %lt3A_2135 : vector<16xi32>
    %and3A_2137 = arith.andi %and3A_2133, %lt3A_2136 : vector<16xi1>
    %select_n3A_2138 = arith.select %and3A_2137, %add3A_13, %broadcast_in_dim3A_15 : vector<16xi1>, vector<16xf32>
    %get3A_2139 = arith.constant 304 : index
    %get3A_2140 = tpu.vector_load %arg11[%get3A_2139] {strides = array<i32>} : memref<576xf32, #tpu.memory_space<vmem>>, vector<16xf32>,
    %get3A_2141 = vector.shape_cast %get3A_2140 : vector<16xf32> to vector<16xf32>
    %mul3A_2142 = arith.mulf %get3A_2141, %select_n3A_2138 : vector<16xf32>
    %add3A_2143 = arith.addf %add3A_2115, %mul3A_2142 : vector<16xf32>
    %add3A_2144 = arith.addf %add3A_2116, %select_n3A_2138 : vector<16xf32>
    %add3A_2145 = arith.constant 0 : i32
    %add3A_2146 = vector.broadcast %add3A_2145 : i32 to vector<16xi32>
    %add3A_2147 = arith.addi %get3A_1992, %add3A_2146 : vector<16xi32>
    %add3A_2148 = arith.constant 1 : i32
    %add3A_2149 = vector.broadcast %add3A_2148 : i32 to vector<16xi32>
    %add3A_2150 = arith.addi %get3A_1989, %add3A_2149 : vector<16xi32>
    %ge3A_2151 = arith.constant 0 : i32
    %ge3A_2152 = vector.broadcast %ge3A_2151 : i32 to vector<16xi32>
    %ge3A_2153 = arith.cmpi sge, %add3A_2147, %ge3A_2152 : vector<16xi32>
    %lt3A_2154 = arith.constant 512 : i32
    %lt3A_2155 = vector.broadcast %lt3A_2154 : i32 to vector<16xi32>
    %lt3A_2156 = arith.cmpi slt, %add3A_2147, %lt3A_2155 : vector<16xi32>
    %and3A_2157 = arith.andi %ge3A_2153, %lt3A_2156 : vector<16xi1>
    %ge3A_2158 = arith.constant 0 : i32
    %ge3A_2159 = vector.broadcast %ge3A_2158 : i32 to vector<16xi32>
    %ge3A_2160 = arith.cmpi sge, %add3A_2150, %ge3A_2159 : vector<16xi32>
    %and3A_2161 = arith.andi %and3A_2157, %ge3A_2160 : vector<16xi1>
    %lt3A_2162 = arith.constant 512 : i32
    %lt3A_2163 = vector.broadcast %lt3A_2162 : i32 to vector<16xi32>
    %lt3A_2164 = arith.cmpi slt, %add3A_2150, %lt3A_2163 : vector<16xi32>
    %and3A_2165 = arith.andi %and3A_2161, %lt3A_2164 : vector<16xi1>
    %select_n3A_2166 = arith.select %and3A_2165, %add3A_13, %broadcast_in_dim3A_15 : vector<16xi1>, vector<16xf32>
    %get3A_2167 = arith.constant 368 : index
    %get3A_2168 = tpu.vector_load %arg11[%get3A_2167] {strides = array<i32>} : memref<576xf32, #tpu.memory_space<vmem>>, vector<16xf32>,
    %get3A_2169 = vector.shape_cast %get3A_2168 : vector<16xf32> to vector<16xf32>
    %mul3A_2170 = arith.mulf %get3A_2169, %select_n3A_2166 : vector<16xf32>
    %add3A_2171 = arith.addf %add3A_2143, %mul3A_2170 : vector<16xf32>
    %add3A_2172 = arith.addf %add3A_2144, %select_n3A_2166 : vector<16xf32>
    %add3A_2173 = arith.constant 1 : i32
    %add3A_2174 = vector.broadcast %add3A_2173 : i32 to vector<16xi32>
    %add3A_2175 = arith.addi %get3A_1992, %add3A_2174 : vector<16xi32>
    %add3A_2176 = arith.constant -1 : i32
    %add3A_2177 = vector.broadcast %add3A_2176 : i32 to vector<16xi32>
    %add3A_2178 = arith.addi %get3A_1989, %add3A_2177 : vector<16xi32>
    %ge3A_2179 = arith.constant 0 : i32
    %ge3A_2180 = vector.broadcast %ge3A_2179 : i32 to vector<16xi32>
    %ge3A_2181 = arith.cmpi sge, %add3A_2175, %ge3A_2180 : vector<16xi32>
    %lt3A_2182 = arith.constant 512 : i32
    %lt3A_2183 = vector.broadcast %lt3A_2182 : i32 to vector<16xi32>
    %lt3A_2184 = arith.cmpi slt, %add3A_2175, %lt3A_2183 : vector<16xi32>
    %and3A_2185 = arith.andi %ge3A_2181, %lt3A_2184 : vector<16xi1>
    %ge3A_2186 = arith.constant 0 : i32
    %ge3A_2187 = vector.broadcast %ge3A_2186 : i32 to vector<16xi32>
    %ge3A_2188 = arith.cmpi sge, %add3A_2178, %ge3A_2187 : vector<16xi32>
    %and3A_2189 = arith.andi %and3A_2185, %ge3A_2188 : vector<16xi1>
    %lt3A_2190 = arith.constant 512 : i32
    %lt3A_2191 = vector.broadcast %lt3A_2190 : i32 to vector<16xi32>
    %lt3A_2192 = arith.cmpi slt, %add3A_2178, %lt3A_2191 : vector<16xi32>
    %and3A_2193 = arith.andi %and3A_2189, %lt3A_2192 : vector<16xi1>
    %select_n3A_2194 = arith.select %and3A_2193, %add3A_13, %broadcast_in_dim3A_15 : vector<16xi1>, vector<16xf32>
    %get3A_2195 = arith.constant 432 : index
    %get3A_2196 = tpu.vector_load %arg11[%get3A_2195] {strides = array<i32>} : memref<576xf32, #tpu.memory_space<vmem>>, vector<16xf32>,
    %get3A_2197 = vector.shape_cast %get3A_2196 : vector<16xf32> to vector<16xf32>
    %mul3A_2198 = arith.mulf %get3A_2197, %select_n3A_2194 : vector<16xf32>
    %add3A_2199 = arith.addf %add3A_2171, %mul3A_2198 : vector<16xf32>
    %add3A_2200 = arith.addf %add3A_2172, %select_n3A_2194 : vector<16xf32>
    %add3A_2201 = arith.constant 1 : i32
    %add3A_2202 = vector.broadcast %add3A_2201 : i32 to vector<16xi32>
    %add3A_2203 = arith.addi %get3A_1992, %add3A_2202 : vector<16xi32>
    %add3A_2204 = arith.constant 0 : i32
    %add3A_2205 = vector.broadcast %add3A_2204 : i32 to vector<16xi32>
    %add3A_2206 = arith.addi %get3A_1989, %add3A_2205 : vector<16xi32>
    %ge3A_2207 = arith.constant 0 : i32
    %ge3A_2208 = vector.broadcast %ge3A_2207 : i32 to vector<16xi32>
    %ge3A_2209 = arith.cmpi sge, %add3A_2203, %ge3A_2208 : vector<16xi32>
    %lt3A_2210 = arith.constant 512 : i32
    %lt3A_2211 = vector.broadcast %lt3A_2210 : i32 to vector<16xi32>
    %lt3A_2212 = arith.cmpi slt, %add3A_2203, %lt3A_2211 : vector<16xi32>
    %and3A_2213 = arith.andi %ge3A_2209, %lt3A_2212 : vector<16xi1>
    %ge3A_2214 = arith.constant 0 : i32
    %ge3A_2215 = vector.broadcast %ge3A_2214 : i32 to vector<16xi32>
    %ge3A_2216 = arith.cmpi sge, %add3A_2206, %ge3A_2215 : vector<16xi32>
    %and3A_2217 = arith.andi %and3A_2213, %ge3A_2216 : vector<16xi1>
    %lt3A_2218 = arith.constant 512 : i32
    %lt3A_2219 = vector.broadcast %lt3A_2218 : i32 to vector<16xi32>
    %lt3A_2220 = arith.cmpi slt, %add3A_2206, %lt3A_2219 : vector<16xi32>
    %and3A_2221 = arith.andi %and3A_2217, %lt3A_2220 : vector<16xi1>
    %select_n3A_2222 = arith.select %and3A_2221, %add3A_13, %broadcast_in_dim3A_15 : vector<16xi1>, vector<16xf32>
    %get3A_2223 = arith.constant 496 : index
    %get3A_2224 = tpu.vector_load %arg11[%get3A_2223] {strides = array<i32>} : memref<576xf32, #tpu.memory_space<vmem>>, vector<16xf32>,
    %get3A_2225 = vector.shape_cast %get3A_2224 : vector<16xf32> to vector<16xf32>
    %mul3A_2226 = arith.mulf %get3A_2225, %select_n3A_2222 : vector<16xf32>
    %add3A_2227 = arith.addf %add3A_2199, %mul3A_2226 : vector<16xf32>
    %add3A_2228 = arith.addf %add3A_2200, %select_n3A_2222 : vector<16xf32>
    %add3A_2229 = arith.constant 1 : i32
    %add3A_2230 = vector.broadcast %add3A_2229 : i32 to vector<16xi32>
    %add3A_2231 = arith.addi %get3A_1992, %add3A_2230 : vector<16xi32>
    %add3A_2232 = arith.constant 1 : i32
    %add3A_2233 = vector.broadcast %add3A_2232 : i32 to vector<16xi32>
    %add3A_2234 = arith.addi %get3A_1989, %add3A_2233 : vector<16xi32>
    %ge3A_2235 = arith.constant 0 : i32
    %ge3A_2236 = vector.broadcast %ge3A_2235 : i32 to vector<16xi32>
    %ge3A_2237 = arith.cmpi sge, %add3A_2231, %ge3A_2236 : vector<16xi32>
    %lt3A_2238 = arith.constant 512 : i32
    %lt3A_2239 = vector.broadcast %lt3A_2238 : i32 to vector<16xi32>
    %lt3A_2240 = arith.cmpi slt, %add3A_2231, %lt3A_2239 : vector<16xi32>
    %and3A_2241 = arith.andi %ge3A_2237, %lt3A_2240 : vector<16xi1>
    %ge3A_2242 = arith.constant 0 : i32
    %ge3A_2243 = vector.broadcast %ge3A_2242 : i32 to vector<16xi32>
    %ge3A_2244 = arith.cmpi sge, %add3A_2234, %ge3A_2243 : vector<16xi32>
    %and3A_2245 = arith.andi %and3A_2241, %ge3A_2244 : vector<16xi1>
    %lt3A_2246 = arith.constant 512 : i32
    %lt3A_2247 = vector.broadcast %lt3A_2246 : i32 to vector<16xi32>
    %lt3A_2248 = arith.cmpi slt, %add3A_2234, %lt3A_2247 : vector<16xi32>
    %and3A_2249 = arith.andi %and3A_2245, %lt3A_2248 : vector<16xi1>
    %select_n3A_2250 = arith.select %and3A_2249, %add3A_13, %broadcast_in_dim3A_15 : vector<16xi1>, vector<16xf32>
    %get3A_2251 = arith.constant 560 : index
    %get3A_2252 = tpu.vector_load %arg11[%get3A_2251] {strides = array<i32>} : memref<576xf32, #tpu.memory_space<vmem>>, vector<16xf32>,
    %get3A_2253 = vector.shape_cast %get3A_2252 : vector<16xf32> to vector<16xf32>
    %mul3A_2254 = arith.mulf %get3A_2253, %select_n3A_2250 : vector<16xf32>
    %add3A_2255 = arith.addf %add3A_2227, %mul3A_2254 : vector<16xf32>
    %add3A_2256 = arith.addf %add3A_2228, %select_n3A_2250 : vector<16xf32>
    %div3A_2257 = arith.divf %add3A_2255, %add3A_2256 : vector<16xf32>
    %sub3A_2258 = arith.subf %div3A_2257, %get3A_1995 : vector<16xf32>
    %mul3A_2259 = arith.mulf %sub3A_2258, %sub3A_2258 : vector<16xf32>
    %mul3A_2260 = arith.mulf %mul3A_2259, %select_n3A_2004 : vector<16xf32>
    %add3A_2261 = arith.addf %add3A_1986, %mul3A_2260 : vector<16xf32>
    %swap3A_2262 = arith.constant 0 : index
    %swap3A_2263 = tpu.vector_load %arg12[%swap3A_2262] {strides = array<i32>} : memref<16xf32, #tpu.memory_space<vmem>>, vector<16xf32>,
    %swap3A_2264 = vector.shape_cast %swap3A_2263 : vector<16xf32> to vector<16xf32>
    %swap3A_2265 = vector.shape_cast %add3A_2261 : vector<16xf32> to vector<16xf32>
    tpu.vector_store %arg12[%swap3A_2262], %swap3A_2265 {strides = array<i32>} : memref<16xf32, #tpu.memory_space<vmem>>, vector<16xf32>,
    "tpu.region"() ({
      %run_scoped3A = tpu.sem_alloc : memref<!tpu.dma_semaphore, #tpu.memory_space<semaphore_mem>>
      %dma_start3A_2266 = arith.constant 0 : i32
      %dma_start3A_2267 = tpu.memref_slice %arg6[%add3A, %dma_start3A_2266] : memref<32x16xf32, #tpu.memory_space<hbm>> -> memref<1x16xf32, #tpu.memory_space<hbm>>
      %dma_start3A_2268 = tpu.memref_squeeze %dma_start3A_2267 : memref<1x16xf32, #tpu.memory_space<hbm>> -> memref<16xf32, #tpu.memory_space<hbm>>
      %dma_start3A_2269 = arith.constant 0 : i32
      %dma_start3A_2270 = tpu.memref_slice %arg6[%add3A, %dma_start3A_2269] : memref<32x16xf32, #tpu.memory_space<hbm>> -> memref<1x16xf32, #tpu.memory_space<hbm>>
      %dma_start3A_2271 = tpu.memref_squeeze %dma_start3A_2270 : memref<1x16xf32, #tpu.memory_space<hbm>> -> memref<16xf32, #tpu.memory_space<hbm>>
      tpu.enqueue_dma source(%arg12 : memref<16xf32, #tpu.memory_space<vmem>>) target(%dma_start3A_2271 : memref<16xf32, #tpu.memory_space<hbm>>) target_semaphore(%run_scoped3A : memref<!tpu.dma_semaphore, #tpu.memory_space<semaphore_mem>>)
      %dma_wait3A_2272 = arith.constant 0 : i32
      %dma_wait3A_2273 = tpu.memref_slice %arg6[%add3A, %dma_wait3A_2272] : memref<32x16xf32, #tpu.memory_space<hbm>> -> memref<1x16xf32, #tpu.memory_space<hbm>>
      %dma_wait3A_2274 = tpu.memref_squeeze %dma_wait3A_2273 : memref<1x16xf32, #tpu.memory_space<hbm>> -> memref<16xf32, #tpu.memory_space<hbm>>
      %dma_wait3A_2275 = arith.constant 0 : i32
      %dma_wait3A_2276 = tpu.memref_slice %arg6[%add3A, %dma_wait3A_2275] : memref<32x16xf32, #tpu.memory_space<hbm>> -> memref<1x16xf32, #tpu.memory_space<hbm>>
      %dma_wait3A_2277 = tpu.memref_squeeze %dma_wait3A_2276 : memref<1x16xf32, #tpu.memory_space<hbm>> -> memref<16xf32, #tpu.memory_space<hbm>>
      tpu.wait_dma2 semaphore(%run_scoped3A : memref<!tpu.dma_semaphore, #tpu.memory_space<semaphore_mem>>) src(%arg12 : memref<16xf32, #tpu.memory_space<vmem>>) dst(%dma_wait3A_2277 : memref<16xf32, #tpu.memory_space<hbm>>)
      tpu.yield
    }) : () -> ()
    return
  }
}

module attributes {stable_mosaic.version = 14 : i64} {
  func.func @body(%arg0: memref<4x128xf32, #tpu.memory_space<vmem>>, %arg1: memref<1x1xf32, #tpu.memory_space<smem>>) attributes {dimension_semantics = [], scalar_prefetch = 0 : i64, scratch_operands = 0 : i64, tpu.core_type = #tpu.core_type<tc>} {
    %get3A = arith.constant 0 : index
    %get3A_0 = arith.constant 0 : index
    %get3A_1 = vector.load %arg0[%get3A, %get3A_0] : memref<4x128xf32, #tpu.memory_space<vmem>>, vector<4x128xf32>
    %reduce_sum3A = vector.shape_cast %get3A_1 : vector<4x128xf32> to vector<1x4x128xf32>
    %reduce_sum3A_2 = arith.constant dense<0.000000e+00> : vector<1xf32>
    %reduce_sum3A_3 = vector.multi_reduction <add>, %reduce_sum3A, %reduce_sum3A_2 [1, 2] : vector<1x4x128xf32> to vector<1xf32>
    %reduce_sum3A_4 = vector.shape_cast %reduce_sum3A_3 : vector<1xf32> to vector<1x1x1xf32>
    %reduce_sum3A_5 = vector.extract %reduce_sum3A_4[0, 0, 0] : f32 from vector<1x1x1xf32>
    %mul3A = arith.constant 6.250000e-04 : f32
    %mul3A_6 = arith.mulf %reduce_sum3A_5, %mul3A : f32
    %swap3A = arith.constant 0 : index
    %swap3A_7 = arith.constant 0 : index
    %swap3A_8 = memref.load %arg1[%swap3A, %swap3A_7] : memref<1x1xf32, #tpu.memory_space<smem>>
    memref.store %mul3A_6, %arg1[%swap3A, %swap3A_7] : memref<1x1xf32, #tpu.memory_space<smem>>
    return
  }
}

</mosaic_0001>

<sc_bundles>
// kernel: kernel.4.cloned.1.call-start
scs
__scs_entry_jumppad:
0x0: {  	(pc) =	sbr.rel $0x88, $3  }
0x1: {  	(tag) =	ssettag $0x0;
	lr =	simm.s32 $0x1  }
0x2: {  	[smem:$0x3F9E] =	sst lr;
	_ =	strace $0xD0000000  }
0x3: {  	_ = 	snop  }
0x4: {  	_ = 	snop  }
0x5: {  	_ = 	snop  }
0x6: {  	_ = 	snop  }
0x7: {  	_ = 	snop  }
__scs_overlays_trampoline_lowered:
0x8: {  	[smem:$0x3FAD] =	sst s0  }
0x9: {  	[smem:$0x3FAE] =	sst s1  }
0xa: {  	[smem:$0x3FAF] =	sst s2  }
0xb: {  	[smem:$0x3FB0] =	sst s3  }
0xc: {  	[smem:$0x3FB1] =	sst s4  }
0xd: {  	[smem:$0x3FB2] =	sst s5  }
0xe: {  	[smem:$0x3FB3] =	sst s6  }
0xf: {  	[smem:$0x3FB4] =	sst s7  }
0x10: {  	[smem:$0x3FB5] =	sst s8  }
0x11: {  	[smem:$0x3FB6] =	sst s9;
	s0 =	simm.s32 @!p0 $0x0  }
0x12: {  	s1 =	sld [smem:$0x3F9C];
	s0 =	simm.s32 @p0 $0x1  }
0x13: {  	[smem:$0x3FB7] =	sst s0;
	s0 =	simm.s32 @!p1 $0x0  }
0x14: {  	s2 =	sld [smem:$0x3F9B];
	s0 =	simm.s32 @p1 $0x1  }
0x15: {  	[smem:$0x3FB8] =	sst s0;
	s0 =	simm.s32 @!p2 $0x0  }
0x16: {  	s3 =	sld [smem:$0x3FDB];
	s0 =	simm.s32 @p2 $0x1  }
0x17: {  	s4 =	simm.s32 $0x1BF5;
	[smem:$0x3FBA] =	sst s0  }
0x18: {  	s0 =	sld [smem:$0x3F9D];
	_ =	swait.ge [sflag:s4], $0x0  }
0x19: {  	s7 =	sld [smem:$0x3F9E]  }
0x1a: {  	s8 =	sadd.s32 $0xFFFFE003, lr  }
0x1b: {  	s9 =	sadd.s32 $0xFFFFFEF7, lr;
	s5 =	simm.s32 $0xFFFFFFFF;
	p2 =	slt.u32 s8, $0xFFFFF086  }
0x1c: {  	p1 =	slt.u32 s9, $0xF7A;
	s5 =	simm.s32 @!p2 $0x0  }
0x1d: {  	s5 =	simm.s32 @p1 $0x1;
	p0 =	seq.s32 s7, s2  }
0x1e: {  	s7 =	smul.u32 @!p0 $0xF7A, s2;
	p2 =	seq.s32 @!p0 s5, $0x0  }
0x1f: {  	s9 =	smul.u32 $0xF7A, s1;
	s8 =	simm.s32 @!p0 $0x1BF5;
	p2 =	por !p2, p0  }
0x20: {  	[sflag:s8] =	ssyncset.s32 @!p0 $0xFFFFF086;
	s6 =	sadd.s32 @!p0 s3, s7;
	s7 =	simm.s32 @!p0 $0x108  }
0x21: {  	s3 =	sadd.s32 s3, s9;
	s6 =	sadd.s32 @!p0 $0x88, s6;
	s7 =	simm.s32 @p2 $0x1082  }
0x22: {  	[simem:s7], [sflag:s8] =	dma.local @!p0 [hbm:s6], $0xF7A  }
0x23: {  	s9 =	sor.u32 $0xD0000000, s2;
	s6 =	simm.s32 $0x108;
	_ =	swait.ge @!p0 [sflag:s8], $0x0  }
0x24: {  	s3 =	sadd.s32 $0x88, s3;
	s6 =	simm.s32 @!p1 $0x1082;
	[sflag:s4] =	ssyncset.s32 $0xFFFFF086  }
0x25: {  	[simem:s6], [sflag:s4] =	dma.local [hbm:s3], $0xF7A  }
0x26: {  	[smem:$0x3F9E] =	sst s1;
	(tag) =	ssettag s2;
	_ =	strace s9  }
0x27: {  	s1 =	sld [smem:$0x3FAE]  }
0x28: {  	s2 =	sld [smem:$0x3FAF]  }
0x29: {  	s4 =	sld [smem:$0x3FB1]  }
0x2a: {  	p0 =	seq.s32 s5, $0x0;
	s5 =	sld [smem:$0x3FB2]  }
0x2b: {  	s6 =	sld [smem:$0x3FB3]  }
0x2c: {  	s7 =	sld [smem:$0x3FB4]  }
0x2d: {  	s3 =	simm.s32 $0x108;
	s8 =	sld [smem:$0x3FB5]  }
0x2e: {  	s3 =	simm.s32 @!p0 $0x1082;
	s9 =	sld [smem:$0x3FB6]  }
0x2f: {  	lr =	sadd.s32 s0, s3;
	s0 =	sld [smem:$0x3FAD]  }
0x30: {  	s3 =	sld [smem:$0x3FB0]  }
0x31: {  	[smem:$0x3FB9] =	sst s10  }
0x32: {  	s10 =	sld [smem:$0x3FB7];
	_ =	sdelay $0x3  }
0x33: {  	p0 =	seq.s32 s10, $0x1;
	s10 =	sld [smem:$0x3FB9];
	_ =	sdelay $0x3  }
0x34: {  	[smem:$0x3FB9] =	sst s10  }
0x35: {  	s10 =	sld [smem:$0x3FB8];
	_ =	sdelay $0x3  }
0x36: {  	p1 =	seq.s32 s10, $0x1;
	s10 =	sld [smem:$0x3FB9];
	_ =	sdelay $0x3  }
0x37: {  	[smem:$0x3FB9] =	sst s10  }
0x38: {  	s10 =	sld [smem:$0x3FBA]  }
0x39: {  	_ = 	snop;
	(pc) =	sbr.ind lr, $3  }
0x3a: {  	_ = 	snop  }
0x3b: {  	_ = 	snop  }
0x3c: {  	p2 =	seq.s32 s10, $0x1;
	s10 =	sld [smem:$0x3FB9]  }
0x3d: {  	_ =	shalt  }
0x3e: {  	_ =	shalt  }
0x3f: {  	_ =	shalt  }
0x40: {  	_ =	shalt  }
0x41: {  	_ =	shalt  }
0x42: {  	_ =	shalt  }
0x43: {  	_ =	shalt  }
0x44: {  	_ =	shalt  }
0x45: {  	_ =	shalt  }
0x46: {  	_ =	shalt  }
0x47: {  	_ =	shalt  }
0x48: {  	_ =	shalt  }
0x49: {  	_ =	shalt  }
0x4a: {  	_ =	shalt  }
0x4b: {  	_ =	shalt  }
0x4c: {  	_ =	shalt  }
0x4d: {  	_ =	shalt  }
0x4e: {  	_ =	shalt  }
0x4f: {  	_ =	shalt  }
0x50: {  	_ =	shalt  }
0x51: {  	_ =	shalt  }
0x52: {  	_ =	shalt  }
0x53: {  	_ =	shalt  }
0x54: {  	_ =	shalt  }
0x55: {  	_ =	shalt  }
0x56: {  	_ =	shalt  }
0x57: {  	_ =	shalt  }
0x58: {  	_ =	shalt  }
0x59: {  	_ =	shalt  }
0x5a: {  	_ =	shalt  }
0x5b: {  	_ =	shalt  }
0x5c: {  	_ =	shalt  }
0x5d: {  	_ =	shalt  }
0x5e: {  	_ =	shalt  }
0x5f: {  	_ =	shalt  }
0x60: {  	_ =	shalt  }
0x61: {  	_ =	shalt  }
0x62: {  	_ =	shalt  }
0x63: {  	_ =	shalt  }
0x64: {  	_ =	shalt  }
0x65: {  	_ =	shalt  }
0x66: {  	_ =	shalt  }
0x67: {  	_ =	shalt  }
0x68: {  	_ =	shalt  }
0x69: {  	_ =	shalt  }
0x6a: {  	_ =	shalt  }
0x6b: {  	_ =	shalt  }
0x6c: {  	_ =	shalt  }
0x6d: {  	_ =	shalt  }
0x6e: {  	_ =	shalt  }
0x6f: {  	_ =	shalt  }
0x70: {  	_ =	shalt  }
0x71: {  	_ =	shalt  }
0x72: {  	_ =	shalt  }
0x73: {  	_ =	shalt  }
0x74: {  	_ =	shalt  }
0x75: {  	_ =	shalt  }
0x76: {  	_ =	shalt  }
0x77: {  	_ =	shalt  }
0x78: {  	_ =	shalt  }
0x79: {  	_ =	shalt  }
0x7a: {  	_ =	shalt  }
0x7b: {  	_ =	shalt  }
0x7c: {  	_ =	shalt  }
0x7d: {  	_ =	shalt  }
0x7e: {  	_ =	shalt  }
0x7f: {  	_ =	shalt  }
0x80: {  	_ =	shalt  }
0x81: {  	_ =	shalt  }
0x82: {  	_ =	shalt  }
0x83: {  	_ =	shalt  }
0x84: {  	_ =	shalt  }
0x85: {  	_ =	shalt  }
0x86: {  	_ =	shalt  }
0x87: {  	_ =	shalt  }
.Lfunc_end0:
.L_simem_size_0:
called_computation_lowered:
.L_overlay_start_0:
0x88: {  	s2 =	sld [smem:$0x3FD9]  }
0x89: {  	s3 =	sld [smem:$0x3FFE];
	_ =	sdelay $0x1  }
0x8a: {  	s1 =	srdreg.scid  }
0x8b: {  	s0 =	sand.u32 $0x1, s1  }
0x8c: {  	s16 =	sshll.u32 s0, $0xA;
	s2 =	sadd.s32 s3, s2  }
0x8d: {  	s2 =	sadd.s32 s2, s16  }
0x8e: {  	[smem:$0x3FC5] =	sst s2  }
0x8f: {  	_ = 	snop  }
0x90: {  	(tm) =	ssettm $0x1  }
0x91: {  	s17 =	sld [smem:$0x3FFB];
	_ =	sdelay $0x3  }
0x92: {  	_ =	strace s17  }
0x93: {  	s2 =	sld [smem:$0x3FFC];
	_ =	sdelay $0x3  }
0x94: {  	_ =	strace s2  }
0x95: {  	s2 =	sld [smem:$0x3FFD];
	_ =	sdelay $0x3  }
0x96: {  	_ =	strace s2  }
0x97: {  	_ =	strace $0x8FFFFFFF  }
0x98: {  	s18 =	sld [smem:$0x3FDB];
	_ =	sdelay $0x1  }
0x99: {  	s19 =	simm.s32 $_scs_section_size  }
0x9a: {  	s4 =	simm.s32 $_size__tile_overlayer_lowered;
	s5 =	simm.s32 $_tile_overlayer_lowered  }
0x9b: {  	s22 =	simm.s32 $0x1BFF;
	s21 =	sshll.u32 s5, $0x1;
	s2 =	sadd.s32 s19, s18  }
0x9c: {  	s6 =	simm.s32 $0x0;
	s20 =	sshll.u32 s4, $0x1;
	s4 =	sadd.s32 s21, s2  }
0x9d: {  	[timem:s6], [sflag:s22] =	dma.local [hbm:s4], s20  }
0x9e: {  	_ =	swait.ge [sflag:s22], s20  }
0x9f: {  	s3 =	ssub.s32 $0x0, s20;
	[sflag:s22] =	ssyncset.done $0x0  }
0xa0: {  	[sflag:s22] =	ssyncadd.s32 s3;
	_ =	sdelay $0x1  }
0xa1: {  	s23 =	simm.s32 $0x1B8B  }
0xa2: {  	_ =	swait.ge [sflag:s23], $0x1  }
0xa3: {  	[sflag:s23] =	ssyncset.done $0x0  }
0xa4: {  	s25 =	simm.s32 $0x1B8E;
	s24 =	sld [smem:$0x3FFE];
	[sflag:s23] =	ssyncadd.s32 $0xFFFFFFFF  }
0xa5: {  	s26 =	simm.s32 $execute0_lowered;
	[smem:$0x3FD2] =	sst s25  }
0xa6: {  	s4 =	sshll.u32 s26, $0x1;
	_ =	strace $0x80000046;
	[dreg:$0x1] =	wrdreg $0xFFFFFFFF  }
0xa7: {  	s28 =	simm.s32 $_size_execute0_lowered;
	s2 =	sadd.s32 s2, s4;
	[dreg:$0x0] =	wrdreg $0x0  }
0xa8: {  	s4 =	sshll.u32 s28, $0x1;
	[dreg:$0x2] =	wrdreg s2  }
0xa9: {  	[dreg:$0x3] =	wrdreg s4  }
0xaa: {  	[dreg:$0x4] =	wrdreg $0xC0  }
0xab: {  	_ =	task [dreg:s6], $0x5FFFF  }
0xac: {  	[dreg:$0x1] =	wrdreg $0xFFFFFFFF  }
0xad: {  	[dreg:$0x0] =	wrdreg $0x60  }
0xae: {  	[dreg:$0x2] =	wrdreg s24  }
0xaf: {  	[dreg:$0x3] =	wrdreg $0x9  }
0xb0: {  	_ =	task.clear_ibuf [dreg:s6], $0x4FFFF;
	_ =	strace $0x90000046  }
0xb1: {  	s29 =	simm.s32 $0x9;
	_ =	strace $0x80000048  }
0xb2: {  	_ =	swait.ge [sflag:s29], $0x1  }
0xb3: {  	[sflag:s29] =	ssyncadd.s32 $0xFFFFFFFF  }
0xb4: {  	_ =	strace $0x90000048  }
0xb5: {  	_ =	sfence  }
0xb6: {  	s30 =	sld [smem:$0x0];
	_ =	sdelay $0x2  }
0xb7: {  	s31 =	sshll.u32 s1, $0xD;
	s1 =	sshrl.u32 s1, $0x2  }
0xb8: {  	s3 =	sand.u32 $0x4000, s31;
	s1 =	sadd.s32 s1, s30  }
0xb9: {  	s0 =	sor.u32 s3, s0;
	s1 =	sshll.u32 s1, $0x11  }
0xba: {  	s0 =	sor.u32 s1, s0  }
0xbb: {  	s0 =	sadd.s32 $0x8F2B, s0  }
0xbc: {  	[sflag:s0] =	ssyncadd.remote.s32 $0x1  }
0xbd: {  	_ =	sfence.sel $0xFFFF  }
0xbe: {  	[dreg:$0x0] =	wrdreg $0xFFFFFFFF;
	(pc) =	sbr.abs _section_cstart, $3  }
0xbf: {  	[dreg:$0x1] =	wrdreg $0xFFFFFFFF  }
0xc0: {  	_ =	task.clear_ibuf [dreg:s6], $0x2FFFF;
	_ =	strace $0x9FFFFFFF  }
0xc1: {  	(tm) =	ssettm $0x7FFFFFFF  }
tec
execute0_lowered:
.L_overlay_start_1:
0x0: {  	(tag) =	ssettag $0x1  }
0x1: {  	s1 =	srdreg.scid;
	s0 =	stileid.u32  }
0x2: {  	s5 =	sand.u32 $0x1, s1;
	s30 =	sshll.u32 s0, $0x1  }
0x3: {  	s4 =	sor.u32 s5, s30  }
0x4: {  	v1 =	vlaneseq.u32;
	s1 =	sshll.u32 s4, $0x6  }
0x5: {  	v2 =	vmov s1;
	v0 =	vor.u32 s1, v1  }
0x6: {  	v3 =	vimm.s32 $0x0;
	vm0 =	vgt.u32 v0, $0xC7;
	vm1 =	vgt.u32 v2, $0x18F  }
0x7: {  	s2 =	sor.u32 $0x10, s1;
	vm10 =	vgt.u32 v0, $0x257;
	vm11 =	vgt.u32 v2, $0x31F;
	vm12 =	vgt.u32 v0, $0x3E7  }
0x8: {  	s31 =	sor.u32 $0x20, s1;
	vm13 =	vgt.u32 v2, $0x4AF;
	vm14 =	vgt.u32 v0, $0x577;
	v0 =	vor.u32 s2, v1  }
0x9: {  	s1 =	sor.u32 $0x30, s1;
	v11 =	vmov s2;
	v13 =	vor.u32 s31, v1;
	v15 =	vmov s31  }
0xa: {  	v62 =	vor.u32 s1, v1;
	v17 =	vmov s1;
	v4 =	vsel vm0, $0x40000, v3  }
0xb: {  	v5 =	vsel vm1, $0x40000, v3;
	v6 =	vsel vm10, $0x40000, v3;
	v7 =	vsel vm11, $0x40000, v3  }
0xc: {  	v8 =	vsel vm12, $0x40000, v3;
	v9 =	vsel vm13, $0x40000, v3;
	v10 =	vsel vm14, $0x40000, v3  }
0xd: {  	vm15 =	vgt.u32 v0, $0xC7;
	vm4 =	vgt.u32 v11, $0x18F;
	vm5 =	vgt.u32 v0, $0x257  }
0xe: {  	vm6 =	vgt.u32 v11, $0x31F;
	vm7 =	vgt.u32 v0, $0x3E7;
	vm8 =	vgt.u32 v11, $0x4AF  }
0xf: {  	vm9 =	vgt.u32 v0, $0x577;
	vm10 =	vgt.u32 v13, $0xC7;
	vm11 =	vgt.u32 v15, $0x18F  }
0x10: {  	vm12 =	vgt.u32 v13, $0x257;
	vm13 =	vgt.u32 v15, $0x31F;
	vm14 =	vgt.u32 v13, $0x3E7  }
0x11: {  	v5 =	vadd.s32 v5, v7;
	v7 =	vsel vm15, $0x40000, v3;
	v12 =	vsel vm8, $0x40000, v3  }
0x12: {  	v14 =	vsel vm9, $0x40000, v3;
	vm15 =	vgt.u32 v15, $0x4AF;
	vm8 =	vgt.u32 v17, $0x31F  }
0x13: {  	vm9 =	vgt.u32 v62, $0x3E7;
	v5 =	vadd.s32 v9, v5;
	v9 =	vsel vm4, $0x40000, v3  }
0x14: {  	v61 =	vsel vm15, $0x40000, v3;
	vm4 =	vgt.u32 v13, $0x577;
	v63 =	vsel vm8, $0x40000, v3  }
0x15: {  	vm15 =	vlt.u32 v17, $0x640;
	v4 =	vadd.s32 v4, v5;
	v5 =	vsel vm5, $0x40000, v3  }
0x16: {  	v16 =	vsel vm4, $0x40000, v3;
	vm5 =	vgt.u32 v62, $0xC7;
	v4 =	vadd.s32 v6, v4  }
0x17: {  	v6 =	vsel vm6, $0x40000, v3;
	vm6 =	vgt.u32 v17, $0x18F;
	v4 =	vadd.s32 v8, v4  }
0x18: {  	v8 =	vsel vm7, $0x40000, v3;
	v6 =	vadd.s32 v9, v6;
	v9 =	vsel vm11, $0x40000, v3  }
0x19: {  	vm7 =	vgt.u32 v62, $0x257;
	vm11 =	vgt.u32 v62, $0x577;
	v0 =	vadd.s32 v10, v4  }
0x1a: {  	v4 =	vsel vm10, $0x40000, v3;
	v6 =	vadd.s32 v12, v6;
	v10 =	vsel vm12, $0x40000, v3  }
0x1b: {  	vm10 =	vgt.u32 v17, $0x4AF;
	v13 =	vsel vm11, $0x40000, v3;
	v6 =	vadd.s32 v7, v6  }
0x1c: {  	vm12 =	vlt.u32 v2, $0x640;
	v7 =	vsel vm13, $0x40000, v3;
	v5 =	vadd.s32 v5, v6  }
0x1d: {  	s6 =	rddreg [dreg:$0x0];
	v6 =	vsel vm14, $0x40000, v3;
	v7 =	vadd.s32 v9, v7;
	v9 =	vsel vm7, $0x40000, v3  }
0x1e: {  	s9 =	simm.s32 $0x2;
	s10 =	simm.s32 $0x80;
	s11 =	simm.s32 $0x100;
	v1 =	vadd.s32 v8, v5;
	v5 =	vsel vm5, $0x40000, v3;
	v7 =	vadd.s32 v61, v7  }
0x1f: {  	s12 =	simm.s32 $0x240;
	s13 =	simm.s32 $0x180;
	s14 =	simm.s32 $0x400;
	v8 =	vsel vm6, $0x40000, v3;
	v4 =	vadd.s32 v4, v7;
	v7 =	vsel vm9, $0x40000, v3  }
0x20: {  	s15 =	simm.s32 $0x1;
	s16 =	simm.s32 $0x680;
	s5 =	ssub.s32 $0x2, s5;
	v4 =	vadd.s32 v10, v4;
	v10 =	vsel vm10, $0x40000, v3;
	v3 =	vadd.s32 v8, v63  }
0x21: {  	s3 =	sadd.s32 $0x400, s6;
	s7 =	sshll.u32 s4, $0x4;
	s8 =	sshrl.u32 s5, $0x1;
	v2 =	vimm.f32 $0.0e+00;
	vm13 =	vlt.u32 v11, $0x640;
	v3 =	vadd.s32 v10, v3  }
0x22: {  	s4 =	sshll.u32 s4, $0x3;
	s7 =	sadd.s32 s7, s6;
	s8 =	ssub.s32 s5, s8;
	vm14 =	vlt.u32 v15, $0x640;
	v6 =	vadd.s32 v6, v4;
	v4 =	vadd.s32 v5, v3  }
0x23: {  	s4 =	sadd.s32 s6, s4;
	s1 =	rddreg [dreg:$0x1];
	s2 =	simm.s32 $0x0;
	v1 =	vadd.s32 v14, v1;
	v8 =	vsel vm15, $0x3F800000, v2;
	v5 =	vadd.s32 v9, v4  }
0x24: {  	s5 =	sadd.s32 $0x200, s4;
	s6 =	sadd.s32 $0x40400, s4;
	[smem:$0x7FF] =	sst s2;
	v3 =	vsel vm12, $0x3F800000, v2;
	v6 =	vadd.s32 v16, v6;
	v7 =	vadd.s32 v7, v5  }
0x25: {  	s7 =	sadd.s32 $0x40600, s7;
	s8 =	smax.u32 s8, $0x1;
	_ =	strace $0x80000047;
	v4 =	vsel vm13, $0x3F800000, v2;
	v5 =	vsel vm14, $0x3F800000, v2;
	v7 =	vadd.s32 v13, v7  }
.LBB2_1:
0x26: {  	[tilespmem:s2], [sflag:$0x2] =	stream.linear.gather [hbm4b:s5+s2], $0x40, $0x38;
	[tilespmem:$0x700] =	vst v63  }
0x27: {  	_ =	swait.ge [sflag:s9], $0x40  }
0x28: {  	[sflag:s9] =	ssyncset.done $0x0  }
0x29: {  	[sflag:s9] =	ssyncadd.s32 $0xFFFFFFC0  }
0x2a: {  	[tilespmem:s10], [sflag:$0x2] =	stream.linear.gather [hbm4b:s4+s2], $0x40, $0x38;
	[tilespmem:$0x700] =	vst v63  }
0x2b: {  	_ =	swait.ge [sflag:s9], $0x40  }
0x2c: {  	[sflag:s9] =	ssyncset.done $0x0  }
0x2d: {  	[sflag:s9] =	ssyncadd.s32 $0xFFFFFFC0  }
0x2e: {  	[tilespmem:s11], [sflag:$0x2] =	stream.linear.gather [hbm4b:s6+s2], $0x40, $0x38;
	[tilespmem:$0x700] =	vst v63  }
0x2f: {  	_ =	swait.ge [sflag:s9], $0x40  }
0x30: {  	[sflag:s9] =	ssyncset.done $0x0  }
0x31: {  	[sflag:s9] =	ssyncadd.s32 $0xFFFFFFC0  }
0x32: {  	v9 =	vld [tilespmem:$0x80]  }
0x33: {  	v10 =	vld [tilespmem:$0x0]  }
0x34: {  	v16 =	vld [tilespmem:$0x90]  }
0x35: {  	v18 =	vld [tilespmem:$0x10]  }
0x36: {  	v25 =	vld [tilespmem:$0xA0]  }
0x37: {  	v41 =	vld [tilespmem:$0x20]  }
0x38: {  	v54 =	vld [tilespmem:$0xB0]  }
0x39: {  	v59 =	vld [tilespmem:$0x30]  }
0x3a: {  	v11 =	vadd.s32 $0xFFFFFFFF, v9;
	v12 =	vadd.s32 $0xFFFFFFFF, v10;
	vm6 =	vgt.s32 v10, $0x0  }
0x3b: {  	vm7 =	vgt.s32 v9, $0x0;
	v21 =	vadd.s32 $0xFFFFFFFF, v16;
	v22 =	vadd.s32 $0xFFFFFFFF, v18  }
0x3c: {  	vm12 =	vgt.s32 v18, $0x0;
	vm13 =	vgt.s32 v16, $0x0;
	v44 =	vadd.s32 $0xFFFFFFFF, v25  }
0x3d: {  	v48 =	vadd.s32 $0xFFFFFFFF, v41;
	v58 =	vadd.s32 $0x1, v25;
	v63 =	vadd.s32 $0xFFFFFFFF, v54  }
0x3e: {  	v29 =	vadd.s32 $0x1, v59;
	v33 =	vadd.s32 $0x1, v54;
	vm0 =	vgt.s32 v11, $0x0  }
0x3f: {  	vm5 =	vgt.s32 v12, $0x0;
	v14 =	vnsel vm6, $0x0, v10;
	v10 =	vadd.s32 $0x1, v10  }
0x40: {  	v15 =	vnsel vm7, $0x0, v9;
	v9 =	vadd.s32 $0x1, v9;
	vm10 =	vgt.s32 v21, $0x0  }
0x41: {  	vm11 =	vgt.s32 v22, $0x0;
	v38 =	vnsel vm12, $0x0, v18;
	v18 =	vadd.s32 $0x1, v18  }
0x42: {  	v24 =	vnsel vm13, $0x0, v16;
	v16 =	vadd.s32 $0x1, v16;
	vm4 =	vgt.s32 v44, $0x0  }
0x43: {  	vm6 =	vgt.s32 v41, $0x0;
	vm7 =	vgt.s32 v25, $0x0;
	vm12 =	vgt.s32 v59, $0x0  }
0x44: {  	vm13 =	vgt.s32 v54, $0x0;
	v11 =	vnsel vm0, $0x0, v11;
	v12 =	vnsel vm5, $0x0, v12  }
0x45: {  	v14 =	vmin.u32 v14, $0x1FF;
	vm8 =	vgt.s32 v10, $0x0;
	v15 =	vmin.u32 v15, $0x1FF  }
0x46: {  	vm9 =	vgt.s32 v9, $0x0;
	v21 =	vnsel vm10, $0x0, v21;
	v37 =	vnsel vm11, $0x0, v22  }
0x47: {  	v22 =	vmin.u32 v38, $0x1FF;
	vm14 =	vgt.s32 v18, $0x0;
	v40 =	vmin.u32 v24, $0x1FF  }
0x48: {  	vm15 =	vgt.s32 v16, $0x0;
	v47 =	vnsel vm4, $0x0, v44;
	v15 =	vshll.u32 v15, $0x9  }
0x49: {  	vm5 =	vgt.s32 v48, $0x0;
	v12 =	vmin.u32 v12, $0x1FF;
	v15 =	vadd.s32 v0, v15  }
0x4a: {  	v11 =	vmin.u32 v11, $0x1FF;
	v10 =	vnsel vm8, $0x0, v10;
	v19 =	vadd.s32 v12, v15  }
0x4b: {  	v11 =	vshll.u32 v11, $0x9;
	v10 =	vmin.u32 v10, $0x1FF;
	v20 =	vadd.s32 v14, v15;
	[tilespmem:$0x240] =	vst v19  }
0x4c: {  	v9 =	vnsel vm9, $0x0, v9;
	v11 =	vadd.s32 v0, v11;
	v15 =	vadd.s32 v10, v15;
	[tilespmem:$0x280] =	vst v20  }
0x4d: {  	v52 =	vnsel vm6, $0x0, v41;
	v9 =	vmin.u32 v9, $0x1FF;
	v13 =	vadd.s32 v12, v11;
	[tilespmem:$0x2C0] =	vst v15  }
0x4e: {  	v16 =	vnsel vm15, $0x0, v16;
	v9 =	vshll.u32 v9, $0x9;
	v17 =	vadd.s32 v14, v11;
	[tilespmem:$0x180] =	vst v13  }
0x4f: {  	v16 =	vmin.u32 v16, $0x1FF;
	v11 =	vadd.s32 v10, v11;
	v9 =	vadd.s32 v0, v9;
	[tilespmem:$0x1C0] =	vst v17  }
0x50: {  	v53 =	vnsel vm7, $0x0, v25;
	v16 =	vshll.u32 v16, $0x9;
	v12 =	vadd.s32 v12, v9;
	[tilespmem:$0x200] =	vst v11  }
0x51: {  	vm10 =	vgt.s32 v63, $0x0;
	v16 =	vadd.s32 v1, v16;
	v14 =	vadd.s32 v14, v9;
	[tilespmem:$0x300] =	vst v12  }
0x52: {  	v9 =	vadd.s32 v10, v9;
	v10 =	vmin.u32 v21, $0x1FF;
	v21 =	vmin.u32 v37, $0x1FF;
	[tilespmem:$0x340] =	vst v14  }
0x53: {  	v49 =	vnsel vm5, $0x0, v48;
	v17 =	vshll.u32 v40, $0x9;
	v46 =	vadd.s32 v21, v16;
	[tilespmem:$0x380] =	vst v9  }
0x54: {  	v50 =	vmin.u32 v49, $0x1FF;
	v17 =	vadd.s32 v1, v17;
	v9 =	vadd.s32 v22, v16;
	[tilespmem:$0x310] =	vst v46  }
0x55: {  	v19 =	vmin.u32 v53, $0x1FF;
	v11 =	vnsel vm14, $0x0, v18;
	v42 =	vadd.s32 v21, v17;
	[tilespmem:$0x350] =	vst v9  }
0x56: {  	v57 =	vshll.u32 v19, $0x9;
	v11 =	vmin.u32 v11, $0x1FF;
	v43 =	vadd.s32 v22, v17;
	[tilespmem:$0x250] =	vst v42  }
0x57: {  	v10 =	vshll.u32 v10, $0x9;
	v60 =	vadd.s32 v6, v57;
	v45 =	vadd.s32 v11, v17;
	[tilespmem:$0x290] =	vst v43  }
0x58: {  	v28 =	vnsel vm12, $0x0, v59;
	v10 =	vadd.s32 v1, v10;
	v61 =	vadd.s32 v50, v60;
	[tilespmem:$0x2D0] =	vst v45  }
0x59: {  	v31 =	vnsel vm13, $0x0, v54;
	vm9 =	vgt.s32 v58, $0x0;
	v23 =	vadd.s32 v21, v10;
	[tilespmem:$0x260] =	vst v61  }
0x5a: {  	v62 =	vnsel vm9, $0x0, v58;
	v17 =	vmin.u32 v47, $0x1FF;
	v39 =	vadd.s32 v22, v10;
	[tilespmem:$0x190] =	vst v23  }
0x5b: {  	v18 =	vadd.s32 $0x1, v41;
	v10 =	vadd.s32 v11, v10;
	v17 =	vshll.u32 v17, $0x9;
	[tilespmem:$0x1D0] =	vst v39  }
0x5c: {  	vm8 =	vgt.s32 v18, $0x0;
	v11 =	vadd.s32 v11, v16;
	v51 =	vadd.s32 v6, v17;
	[tilespmem:$0x210] =	vst v10  }
0x5d: {  	v56 =	vnsel vm8, $0x0, v18;
	v17 =	vmin.u32 v52, $0x1FF;
	[tilespmem:$0x390] =	vst v11;
	v10 =	vadd.s32 v50, v51  }
0x5e: {  	v18 =	vmin.u32 v62, $0x1FF;
	v12 =	vmin.u32 v56, $0x1FF;
	v55 =	vadd.s32 v17, v51;
	[tilespmem:$0x1A0] =	vst v10  }
0x5f: {  	v32 =	vmin.u32 v31, $0x1FF;
	v18 =	vshll.u32 v18, $0x9;
	v9 =	vadd.s32 v12, v51;
	[tilespmem:$0x1E0] =	vst v55  }
0x60: {  	vm15 =	vgt.s32 v33, $0x0;
	v14 =	vadd.s32 v6, v18;
	v11 =	vadd.s32 v17, v60;
	[tilespmem:$0x220] =	vst v9  }
0x61: {  	v22 =	vnsel vm10, $0x0, v63;
	v23 =	vadd.s32 $0xFFFFFFFF, v59;
	v25 =	vadd.s32 v17, v14;
	[tilespmem:$0x2A0] =	vst v11  }
0x62: {  	v24 =	vmin.u32 v22, $0x1FF;
	vm11 =	vgt.s32 v23, $0x0;
	v10 =	vadd.s32 v12, v60;
	[tilespmem:$0x360] =	vst v25  }
0x63: {  	v13 =	vshll.u32 v24, $0x9;
	v9 =	vadd.s32 v50, v14;
	v26 =	vnsel vm11, $0x0, v23;
	[tilespmem:$0x2E0] =	vst v10  }
0x64: {  	v13 =	vadd.s32 v7, v13;
	v11 =	vmin.u32 v26, $0x1FF;
	v10 =	vadd.s32 v12, v14;
	[tilespmem:$0x320] =	vst v9  }
0x65: {  	v34 =	vshll.u32 v32, $0x9;
	v9 =	vmin.u32 v28, $0x1FF;
	v27 =	vadd.s32 v11, v13;
	[tilespmem:$0x3A0] =	vst v10  }
0x66: {  	vm14 =	vgt.s32 v29, $0x0;
	v12 =	vadd.s32 v7, v34;
	v30 =	vadd.s32 v9, v13;
	[tilespmem:$0x1B0] =	vst v27  }
0x67: {  	v35 =	vnsel vm15, $0x0, v33;
	v10 =	vnsel vm14, $0x0, v29;
	v36 =	vadd.s32 v11, v12;
	[tilespmem:$0x1F0] =	vst v30  }
0x68: {  	v14 =	vmin.u32 v35, $0x1FF;
	v37 =	vadd.s32 v9, v12;
	v10 =	vmin.u32 v10, $0x1FF;
	[tilespmem:$0x270] =	vst v36  }
0x69: {  	v14 =	vshll.u32 v14, $0x9;
	[tilespmem:$0x2B0] =	vst v37;
	v13 =	vadd.s32 v10, v13  }
0x6a: {  	v38 =	vadd.s32 v7, v14;
	v12 =	vadd.s32 v10, v12;
	[tilespmem:$0x230] =	vst v13  }
0x6b: {  	v11 =	vadd.s32 v11, v38;
	[tilespmem:$0x2F0] =	vst v12  }
0x6c: {  	v9 =	vadd.s32 v9, v38;
	[tilespmem:$0x330] =	vst v11  }
0x6d: {  	[tilespmem:$0x370] =	vst v9;
	v9 =	vadd.s32 v10, v38  }
0x6e: {  	[tilespmem:$0x3B0] =	vst v9  }
0x6f: {  	[tilespmem:s14], [sflag:$0x1] =	stream.indirect.gather [hbm4b:s3+s12], $0x1, s13, s12, $0xb8;
	[tilespmem:$0x700] =	vst v63  }
0x70: {  	_ =	swait.ge [sflag:s15], $0x240  }
0x71: {  	[sflag:s15] =	ssyncset.done $0x0  }
0x72: {  	[sflag:s15] =	ssyncadd.s32 $0xFFFFFDC0  }
0x73: {  	v9 =	vld [tilespmem:$0x0]  }
0x74: {  	v10 =	vld [tilespmem:$0x80]  }
0x75: {  	v62 =	vld [tilespmem:$0x10]  }
0x76: {  	v63 =	vld [tilespmem:$0x90];
	_ =	sdelay $0x2  }
0x77: {  	v39 =	vadd.s32 $0xFFFFFFFF, v10  }
0x78: {  	v40 =	vadd.s32 $0xFFFFFFFF, v9;
	v45 =	vadd.s32 $0x1, v9;
	v52 =	vor.u32 v9, v10  }
0x79: {  	v27 =	vadd.s32 $0xFFFFFFFF, v63;
	v28 =	vadd.s32 $0xFFFFFFFF, v62;
	v34 =	vadd.s32 $0x1, v62  }
0x7a: {  	v41 =	vor.u32 v40, v39;
	v43 =	vor.u32 v9, v39;
	v12 =	vor.u32 v45, v39  }
0x7b: {  	v48 =	vor.u32 v40, v10;
	vm8 =	vlt.u32 v52, $0x200;
	v56 =	vor.u32 v45, v10  }
0x7c: {  	v49 =	vld [tilespmem:$0x500];
	v10 =	vadd.s32 $0x1, v10;
	v32 =	vor.u32 v62, v27;
	v37 =	vor.u32 v28, v63  }
0x7d: {  	v11 =	vld [tilespmem:$0x400];
	vm4 =	vlt.u32 v41, $0x200;
	vm5 =	vlt.u32 v43, $0x200;
	vm6 =	vlt.u32 v12, $0x200  }
0x7e: {  	v42 =	vld [tilespmem:$0x440];
	vm7 =	vlt.u32 v48, $0x200;
	v55 =	vsel vm8, $0x3F800000, v2;
	vm9 =	vlt.u32 v56, $0x200  }
0x7f: {  	v44 =	vld [tilespmem:$0x480];
	v13 =	vor.u32 v40, v10;
	v9 =	vor.u32 v9, v10;
	v10 =	vor.u32 v45, v10  }
0x80: {  	v47 =	vld [tilespmem:$0x4C0];
	vm14 =	vlt.u32 v32, $0x200;
	v14 =	vsel vm4, $0x3F800000, v2;
	v46 =	vsel vm5, $0x3F800000, v2  }
0x81: {  	v53 =	vld [tilespmem:$0x540];
	v12 =	vsel vm6, $0x3F800000, v2;
	v51 =	vsel vm7, $0x3F800000, v2;
	v57 =	vmul.f32 v49, v55  }
0x82: {  	v59 =	vsel vm9, $0x3F800000, v2;
	vm10 =	vlt.u32 v13, $0x200;
	vm11 =	vlt.u32 v9, $0x200  }
0x83: {  	vm12 =	vlt.u32 v10, $0x200;
	v10 =	vor.u32 v28, v27;
	v35 =	vsel vm14, $0x3F800000, v2  }
0x84: {  	vm4 =	vlt.u32 v37, $0x200;
	v13 =	vadd.s32 $0x1, v63;
	v11 =	vmul.f32 v14, v11  }
0x85: {  	v58 =	vld [tilespmem:$0x580];
	v15 =	vmul.f32 v46, v42;
	v50 =	vmul.f32 v12, v44;
	v14 =	vadd.f32 v46, v14  }
0x86: {  	v60 =	vld [tilespmem:$0x5C0];
	v54 =	vmul.f32 v47, v51;
	v61 =	vmul.f32 v53, v59;
	v11 =	vadd.f32 $0.0e+00, v11  }
0x87: {  	v24 =	vld [tilespmem:$0x600];
	v21 =	vsel vm10, $0x3F800000, v2;
	v23 =	vsel vm11, $0x3F800000, v2;
	v30 =	vsel vm12, $0x3F800000, v2  }
0x88: {  	v36 =	vld [tilespmem:$0x4D0];
	vm13 =	vlt.u32 v10, $0x200;
	v41 =	vsel vm4, $0x3F800000, v2;
	v11 =	vadd.f32 v11, v15  }
0x89: {  	v42 =	vor.u32 v62, v63;
	v46 =	vor.u32 v34, v63;
	v16 =	vor.u32 v28, v13  }
0x8a: {  	v52 =	vor.u32 v62, v13;
	v13 =	vor.u32 v34, v13;
	v11 =	vadd.f32 v11, v50  }
0x8b: {  	v26 =	vld [tilespmem:$0x410];
	v22 =	vmul.f32 v58, v21;
	v25 =	vmul.f32 v60, v23;
	v12 =	vadd.f32 v14, v12  }
0x8c: {  	v10 =	vmul.f32 v24, v30;
	v31 =	vsel vm13, $0x3F800000, v2;
	v11 =	vadd.f32 v11, v54  }
0x8d: {  	v38 =	vld [tilespmem:$0x510];
	v44 =	vmul.f32 v36, v41;
	vm5 =	vlt.u32 v42, $0x200;
	v12 =	vadd.f32 v12, v51  }
0x8e: {  	v48 =	vld [tilespmem:$0xA0];
	vm6 =	vlt.u32 v46, $0x200;
	vm7 =	vlt.u32 v16, $0x200;
	v11 =	vadd.f32 v11, v57  }
0x8f: {  	v29 =	vld [tilespmem:$0x450];
	vm8 =	vlt.u32 v52, $0x200;
	vm9 =	vlt.u32 v13, $0x200;
	v12 =	vadd.f32 v12, v55  }
0x90: {  	v43 =	vld [tilespmem:$0x550];
	v14 =	vmul.f32 v31, v26;
	v40 =	vadd.f32 v35, v31;
	v11 =	vadd.f32 v11, v61  }
0x91: {  	v45 =	vsel vm5, $0x3F800000, v2;
	v49 =	vsel vm6, $0x3F800000, v2;
	v51 =	vld [tilespmem:$0x590];
	v12 =	vadd.f32 v12, v59  }
0x92: {  	v53 =	vsel vm7, $0x3F800000, v2;
	v47 =	vmul.f32 v38, v45;
	v9 =	vadd.f32 v11, v22;
	v22 =	vld [tilespmem:$0x20]  }
0x93: {  	v42 =	vadd.s32 $0x1, v48;
	v15 =	vor.u32 v34, v27;
	v11 =	vadd.f32 v12, v21  }
0x94: {  	v14 =	vadd.f32 $0.0e+00, v14;
	vm15 =	vlt.u32 v15, $0x200;
	v12 =	vmul.f32 v35, v29;
	v29 =	vld [tilespmem:$0x5D0]  }
0x95: {  	v50 =	vmul.f32 v43, v49;
	v55 =	vadd.s32 $0xFFFFFFFF, v48;
	v11 =	vadd.f32 v11, v23  }
0x96: {  	v60 =	vmul.f32 v51, v53;
	v57 =	vsel vm8, $0x3F800000, v2;
	v9 =	vadd.f32 v9, v25  }
0x97: {  	v33 =	vld [tilespmem:$0x490];
	v12 =	vadd.f32 v14, v12;
	v11 =	vadd.f32 v11, v30;
	v56 =	vadd.s32 $0xFFFFFFFF, v22  }
0x98: {  	v62 =	vor.u32 v22, v55;
	v24 =	vadd.s32 $0x1, v22;
	v35 =	vor.u32 v22, v48  }
0x99: {  	v21 =	vmul.f32 v29, v57;
	v22 =	vor.u32 v22, v42;
	(erf) = vrcp.f32 v11  }
0x9a: {  	v63 =	vld [tilespmem:$0x4A0];
	v11 =	vsel vm15, $0x3F800000, v2;
	v58 =	vor.u32 v56, v55;
	vm11 =	vlt.u32 v62, $0x200  }
0x9b: {  	v59 =	vld [tilespmem:$0x460];
	v19 =	vor.u32 v24, v55;
	v27 =	vor.u32 v56, v48;
	vm14 =	vlt.u32 v35, $0x200  }
0x9c: {  	v28 =	vld [tilespmem:$0x520];
	v43 =	vor.u32 v56, v42;
	vm7 =	vlt.u32 v22, $0x200;
	v39 =	vmul.f32 v11, v33  }
0x9d: {  	v54 =	vld [tilespmem:$0x420];
	v11 =	vadd.f32 v40, v11;
	vm10 =	vlt.u32 v58, $0x200;
	v32 =	vsel vm11, $0x3F800000, v2  }
0x9e: {  	v26 =	vld [tilespmem:$0x4E0];
	vm12 =	vlt.u32 v19, $0x200;
	vm13 =	vlt.u32 v27, $0x200;
	v38 =	vsel vm14, $0x3F800000, v2  }
0x9f: {  	vm4 =	vlt.u32 v43, $0x200;
	v55 =	vsel vm7, $0x3F800000, v2;
	v61 =	vsel vm10, $0x3F800000, v2  }
0xa0: {  	v23 =	vmul.f32 v32, v59;
	v19 =	vsel vm12, $0x3F800000, v2;
	v34 =	vsel vm13, $0x3F800000, v2  }
0xa1: {  	v25 =	vld [tilespmem:$0x30];
	v40 =	vmul.f32 v28, v38;
	v12 =	vadd.f32 v12, v39;
	v11 =	vadd.f32 v11, v41  }
0xa2: {  	v16 =	vmul.f32 v61, v54;
	v33 =	vmul.f32 v19, v63;
	v15 =	vadd.f32 v32, v61  }
0xa3: {  	v36 =	vmul.f32 v26, v34;
	v39 =	vld [tilespmem:$0xB0];
	v41 =	vor.u32 v24, v48;
	v48 =	vsel vm4, $0x3F800000, v2  }
0xa4: {  	vm15 =	vlt.u32 v41, $0x200;
	v12 =	vadd.f32 v12, v44;
	v11 =	vadd.f32 v11, v45  }
0xa5: {  	v16 =	vadd.f32 $0.0e+00, v16;
	v37 =	vadd.f32 v15, v19;
	v15 =	vsel vm15, $0x3F800000, v2  }
0xa6: {  	v45 =	vadd.s32 $0xFFFFFFFF, v25;
	v12 =	vadd.f32 v12, v47;
	v17 =	vadd.f32 v11, v49  }
0xa7: {  	v11 =	vsel vm9, $0x3F800000, v2;
	v16 =	vadd.f32 v16, v23;
	v13 =	vadd.f32 v37, v34  }
0xa8: {  	v44 =	vadd.s32 $0xFFFFFFFF, v39;
	v30 =	vor.u32 v45, v39;
	v31 =	vor.u32 v25, v39  }
0xa9: {  	v19 =	vadd.s32 $0x1, v39;
	v12 =	vadd.f32 v12, v50;
	v14 =	vadd.f32 v17, v53  }
0xaa: {  	v16 =	vadd.f32 v16, v33;
	v13 =	vadd.f32 v13, v38;
	v47 =	vor.u32 v45, v44  }
0xab: {  	v49 =	vor.u32 v25, v44;
	v53 =	vadd.s32 $0x1, v25;
	vm9 =	vlt.u32 v30, $0x200  }
0xac: {  	vm10 =	vlt.u32 v31, $0x200;
	v20 =	vor.u32 v45, v19;
	vm5 =	vlt.u32 v47, $0x200  }
0xad: {  	vm6 =	vlt.u32 v49, $0x200;
	v18 =	vor.u32 v53, v44;
	v30 =	vsel vm9, $0x3F800000, v2  }
0xae: {  	v46 =	vld [tilespmem:$0x430];
	v61 =	vor.u32 v53, v39;
	v50 =	vsel vm5, $0x3F800000, v2;
	v52 =	vsel vm6, $0x3F800000, v2  }
0xaf: {  	v62 =	vld [tilespmem:$0x4F0];
	vm12 =	vlt.u32 v20, $0x200;
	vm8 =	vlt.u32 v18, $0x200;
	v27 =	vadd.f32 v52, v50  }
0xb0: {  	v51 =	vld [tilespmem:$0x470];
	v39 =	vor.u32 v25, v19;
	v14 =	vadd.f32 v14, v57;
	v57 =	vsel vm8, $0x3F800000, v2  }
0xb1: {  	v19 =	vor.u32 v53, v19;
	v12 =	vadd.f32 v12, v60;
	v27 =	vadd.f32 v27, v57  }
0xb2: {  	v58 =	vld [tilespmem:$0x4B0];
	v16 =	vadd.f32 v16, v36;
	v13 =	vadd.f32 v13, v15;
	v60 =	vsel vm10, $0x3F800000, v2  }
0xb3: {  	vm11 =	vlt.u32 v61, $0x200;
	v36 =	vsel vm12, $0x3F800000, v2;
	v59 =	vadd.f32 v27, v30  }
0xb4: {  	vm14 =	vlt.u32 v39, $0x200;
	v28 =	vmul.f32 v62, v30;
	v54 =	vmul.f32 v50, v46  }
0xb5: {  	v17 =	vmul.f32 v52, v51;
	v14 =	vadd.f32 v14, v11;
	v18 =	vadd.f32 v59, v60  }
0xb6: {  	v63 =	vld [tilespmem:$0x560];
	v31 =	vsel vm11, $0x3F800000, v2;
	v13 =	vadd.f32 v13, v48;
	v56 =	vadd.f32 $0.0e+00, v54  }
0xb7: {  	v38 =	vld [tilespmem:$0x530];
	v22 =	vmul.f32 v57, v58;
	(erf) = vrcp.f32 v14;
	v18 =	vadd.f32 v18, v31  }
0xb8: {  	v41 =	vld [tilespmem:$0x570];
	v14 =	vadd.f32 v16, v40;
	v16 =	vor.u32 v24, v42;
	v17 =	vadd.f32 v56, v17  }
0xb9: {  	v13 =	vadd.f32 v13, v55;
	v40 =	vld [tilespmem:$0x5A0];
	vm13 =	vlt.u32 v16, $0x200;
	v18 =	vadd.f32 v18, v36  }
0xba: {  	v43 =	vld [tilespmem:$0x5E0];
	v42 =	vsel vm14, $0x3F800000, v2;
	v33 =	vsel vm13, $0x3F800000, v2;
	v37 =	vadd.f32 v17, v22  }
0xbb: {  	v32 =	vld [tilespmem:$0x610];
	vm15 =	vlt.u32 v19, $0x200;
	v13 =	vadd.f32 v13, v33;
	v18 =	vadd.f32 v18, v42  }
0xbc: {  	v44 =	vld [tilespmem:$0x5B0];
	v15 =	vmul.f32 v63, v15;
	v45 =	vsel vm15, $0x3F800000, v2;
	v17 =	vmul.f32 v38, v60  }
0xbd: {  	v46 =	vld [tilespmem:$0x620];
	(erf) = vrcp.f32 v13;
	v16 =	vadd.f32 v37, v28;
	v18 =	vadd.f32 v18, v45  }
0xbe: {  	v9 =	vadd.f32 v9, v10;
	v49 =	vmul.f32 v41, v31;
	v47 =	vmul.f32 v40, v48;
	v48 =	vld [tilespmem:$0x5F0]  }
0xbf: {  	v51 =	vld [tilespmem:$0x630];
	v14 =	vadd.f32 v14, v15;
	v16 =	vadd.f32 v16, v17;
	(erf) = vrcp.f32 v18  }
0xc0: {  	v50 =	vmul.f32 v43, v55;
	v12 =	vadd.f32 v12, v21;
	v11 =	vmul.f32 v32, v11  }
0xc1: {  	v52 =	vld [tilespmem:$0x100];
	v13 =	vmul.f32 v44, v36;
	v14 =	vadd.f32 v14, v47;
	v10 =	vadd.f32 v16, v49  }
0xc2: {  	v54 =	vld [tilespmem:$0x110];
	v11 =	vadd.f32 v12, v11;
	v56 =	vmul.f32 v46, v33  }
0xc3: {  	v53 =	vpop (erf);
	v14 =	vadd.f32 v14, v50;
	v57 =	vmul.f32 v48, v42;
	v10 =	vadd.f32 v10, v13  }
0xc4: {  	v9 =	vmul.f32 v9, v53;
	v58 =	vld [tilespmem:$0x120];
	v59 =	vmul.f32 v51, v45;
	v55 =	vpop (erf)  }
0xc5: {  	v11 =	vmul.f32 v11, v55;
	v14 =	vadd.f32 v14, v56;
	v10 =	vadd.f32 v10, v57  }
0xc6: {  	v61 =	vld [tilespmem:$0x130];
	v9 =	vsub.f32 v9, v52;
	v60 =	vpop (erf)  }
0xc7: {  	v11 =	vsub.f32 v11, v54;
	v62 =	vmul.f32 v14, v60;
	v10 =	vadd.f32 v10, v59  }
0xc8: {  	v9 =	vmul.f32 v9, v9;
	v63 =	vpop (erf)  }
0xc9: {  	v11 =	vmul.f32 v11, v11;
	v12 =	vsub.f32 v62, v58;
	v10 =	vmul.f32 v10, v63  }
0xca: {  	v9 =	vmul.f32 v9, v3  }
0xcb: {  	v11 =	vmul.f32 v11, v4;
	v12 =	vmul.f32 v12, v12;
	v10 =	vsub.f32 v10, v61;
	_ =	sdelay $0x1  }
0xcc: {  	v9 =	vadd.f32 v11, v9;
	v11 =	vmul.f32 v12, v5;
	v10 =	vmul.f32 v10, v10;
	_ =	sdelay $0x1  }
0xcd: {  	v9 =	vadd.f32 v11, v9;
	v10 =	vmul.f32 v10, v8;
	_ =	sdelay $0x1  }
0xce: {  	v9 =	vadd.f32 v10, v9  }
0xcf: {  	p0 =	sne.s32 s8, $0x1  }
.Ltmp0:
0xd0: {  	[tilespmem:$0x680] =	vst v9;
	(pc) =	sbr.rel @p0 .LBB2_1-.Ltmp0, $4  }
0xd1: {  	[hbm4b:s7+s2] =	stream.linear.scatter [tilespmem:s16], [sflag:$0x2], $0x80, $0x38;
	[tilespmem:$0x700] =	vst v63  }
0xd2: {  	_ =	swait.ge [sflag:s9], $0x80  }
0xd3: {  	[sflag:s9] =	ssyncset.done $0x0  }
0xd4: {  	s8 =	sadd.s32 $0xFFFFFFFF, s8;
	[sflag:s9] =	ssyncadd.s32 $0xFFFFFF80  }
0xd5: {  	_ =	sfence.sel $0x180000  }
0xd6: {  	[bflag:$0x0] =	sbarrier.arrive $0xFFFF  }
0xd7: {  	p0 =	sne.s32 s0, $0x0;
	_ =	strace $0x90000047  }
0xd8: {  	s0 =	sadd.s32 @!p0 $0x100000, s1;
	[bflag:$0x2] =	sbarrier.arrive $0xFFFF  }
0xd9: {  	[sflag:s0] =	ssyncadd.tile.s32 @!p0 $0x1;
	_ =	shalt  }
.Lfunc_end2:
_tile_overlayer_lowered:
.L_overlay_start_2:
0xda: {  	(tag) =	ssettag $0x2  }
0xdb: {  	s0 =	rddreg [dreg:$0x0];
	s2 =	stileid.u32  }
0xdc: {  	s1 =	rddreg [dreg:$0x1];
	p0 =	sne.s32 s2, $0x0  }
0xdd: {  	s3 =	rddreg [dreg:$0x2];
	[bflag:$0x3] =	sbarrier.arrive $0xFFFF;
	s2 =	simm.s32 @!p0 $0x1C02  }
0xde: {  	[timem:s3], [sflag:s2] =	dma.local @!p0 [hbm:s0], s1  }
0xdf: {  	s0 =	simm.s32 @!p0 $0x2  }
0xe0: {  	_ =	swait.ge @!p0 [sflag:s0], s1  }
0xe1: {  	s1 =	ssub.s32 @!p0 $0x0, s1;
	[sflag:s0] =	ssyncset.done @!p0 $0x0  }
0xe2: {  	[sflag:s0] =	ssyncadd.s32 @!p0 s1  }
0xe3: {  	[bflag:$0x3] =	sbarrier.arrive $0xFFFF  }
0xe4: {  	_ =	shalt  }

</sc_bundles>
